<compile_context>
chip_gen: v7x
topology: tpu7x:2x2x1
jax: 0.10.2.dev20260603
libtpu: 0.0.44.dev20260713+nightly
codegen_flags: <defaults>
</compile_context>

<pallas_src>
import functools

import jax
import jax.numpy as jnp
from jax import lax
from jax.experimental import pallas as pl
from jax.experimental.pallas import tpu as pltpu
from jax.experimental.pallas import tpu_sc as plsc

DIM = 32
NC = 2
NS = 16
L = 16
NW = NC * NS
C = 128


@functools.partial(jax.jit, static_argnames=("tot",))
def _sc_scores(h, r, t, ent_re, ent_im, rel_re, rel_im, tot):
    per_w = tot // NW
    n_chunks = per_w // C
    mesh = plsc.VectorSubcoreMesh(core_axis_name="c", subcore_axis_name="s")

    @functools.partial(
        pl.kernel,
        out_type=jax.ShapeDtypeStruct((tot,), jnp.float32),
        mesh=mesh,
        compiler_params=pltpu.CompilerParams(
            needs_layout_passes=False, use_tc_tiling_on_sc=False),
        scratch_types=[
            pltpu.VMEM((C,), jnp.int32),
            pltpu.VMEM((C,), jnp.int32),
            pltpu.VMEM((C,), jnp.int32),
            pltpu.VMEM((C, DIM), jnp.float32),
            pltpu.VMEM((C, DIM), jnp.float32),
            pltpu.VMEM((C, DIM), jnp.float32),
            pltpu.VMEM((C, DIM), jnp.float32),
            pltpu.VMEM((C, DIM), jnp.float32),
            pltpu.VMEM((C, DIM), jnp.float32),
            pltpu.VMEM((C,), jnp.float32),
            pltpu.SemaphoreType.DMA,
        ],
    )
    def k(h_hbm, r_hbm, t_hbm, ere_hbm, eim_hbm, rre_hbm, rim_hbm, out_hbm,
          h_v, r_v, t_v, hre, him, tre, tim, rre, rim, sc_v, sem):
        wid = lax.axis_index("s") * NC + lax.axis_index("c")
        w_base = wid * per_w

        def chunk_body(ci, carry):
            base = w_base + ci * C
            pltpu.sync_copy(h_hbm.at[pl.ds(base, C)], h_v)
            pltpu.sync_copy(r_hbm.at[pl.ds(base, C)], r_v)
            pltpu.sync_copy(t_hbm.at[pl.ds(base, C)], t_v)
            cps = [
                pltpu.async_copy(ere_hbm.at[h_v], hre, sem),
                pltpu.async_copy(eim_hbm.at[h_v], him, sem),
                pltpu.async_copy(ere_hbm.at[t_v], tre, sem),
                pltpu.async_copy(eim_hbm.at[t_v], tim, sem),
                pltpu.async_copy(rre_hbm.at[r_v], rre, sem),
                pltpu.async_copy(rim_hbm.at[r_v], rim, sem),
            ]
            for cp in cps:
                cp.wait()

            def group_body(g, gcarry):
                row = g * L + lax.iota(jnp.int32, L)
                acc = jnp.zeros((L,), jnp.float32)
                for d in range(DIM):
                    col = jnp.full((L,), d, jnp.int32)
                    a = plsc.load_gather(hre, [row, col])
                    b = plsc.load_gather(him, [row, col])
                    u = plsc.load_gather(tre, [row, col])
                    v = plsc.load_gather(tim, [row, col])
                    p = plsc.load_gather(rre, [row, col])
                    q = plsc.load_gather(rim, [row, col])
                    acc = acc + p * (a * u + b * v) + q * (a * v - b * u)
                sc_v[pl.ds(g * L, L)] = acc
                return gcarry

            lax.fori_loop(0, C // L, group_body, 0)
            pltpu.sync_copy(sc_v, out_hbm.at[pl.ds(base, C)])
            return carry

        lax.fori_loop(0, n_chunks, chunk_body, 0)

    return k(h, r, t, ent_re, ent_im, rel_re, rel_im)


def kernel(pos_triples, neg_triples, ent_re, ent_im, rel_re, rel_im):
    tri = jnp.concatenate([pos_triples, neg_triples], axis=0).astype(jnp.int32)
    tot = tri.shape[0]
    out = _sc_scores(tri[:, 0], tri[:, 1], tri[:, 2],
                     ent_re, ent_im, rel_re, rel_im, tot)
    b = pos_triples.shape[0]
    return out[:b], out[b:]

# --- scband reference (transcript-rebuilt; emitter-appended) ---
"""Pipeline reference for scband-compl-ex-22608707846280 (READ-ONLY COPY).

The authoritative reference and input builder live on the scoring server;
editing this copy changes nothing except your own understanding.
"""

import jax, jax.numpy as jnp
import numpy as np

NUM_ENT = 1000000
NUM_REL = 1000000
DIM = 32  # complex half-dim (init dim=64 split into re/im)
B = 16384


def setup_inputs(seed: int = 0) -> dict:
    key = jax.random.key(seed)
    ks = jax.random.split(key, 6)
    bound = 1.0 / np.sqrt(DIM)
    ent_re = jax.random.uniform(ks[0], (NUM_ENT, DIM), minval=-bound, maxval=bound, dtype=jnp.float32)
    ent_im = jax.random.uniform(ks[1], (NUM_ENT, DIM), minval=-bound, maxval=bound, dtype=jnp.float32)
    rel_re = jax.random.uniform(ks[2], (NUM_REL, DIM), minval=-bound, maxval=bound, dtype=jnp.float32)
    rel_im = jax.random.uniform(ks[3], (NUM_REL, DIM), minval=-bound, maxval=bound, dtype=jnp.float32)
    pos_triples = jax.random.randint(ks[4], (B, 3), 0, NUM_ENT)
    neg_triples = jax.random.randint(ks[5], (B, 3), 0, NUM_ENT)
    return {
        "pos_triples": pos_triples,
        "neg_triples": neg_triples,
        "ent_re": ent_re,
        "ent_im": ent_im,
        "rel_re": rel_re,
        "rel_im": rel_im,
    }


def _score_triples(h, r, t, ent_re, ent_im, rel_re, rel_im):
    h_re = jnp.take(ent_re, h, axis=0)
    h_im = jnp.take(ent_im, h, axis=0)
    t_re = jnp.take(ent_re, t, axis=0)
    t_im = jnp.take(ent_im, t, axis=0)
    r_re = jnp.take(rel_re, r, axis=0)
    r_im = jnp.take(rel_im, r, axis=0)
    s = h_re * r_re * t_re
    s = s + h_im * r_re * t_im
    s = s + h_re * r_im * t_im
    s = s - h_im * r_im * t_re
    return s.sum(axis=-1)


def reference(pos_triples, neg_triples, ent_re, ent_im, rel_re, rel_im):
    p_h, p_r, p_t = pos_triples[:, 0], pos_triples[:, 1], pos_triples[:, 2]
    n_h, n_r, n_t = neg_triples[:, 0], neg_triples[:, 1], neg_triples[:, 2]
    pos_scores = _score_triples(p_h, p_r, p_t, ent_re, ent_im, rel_re, rel_im)
    neg_scores = _score_triples(n_h, n_r, n_t, ent_re, ent_im, rel_re, rel_im)
    return (pos_scores, neg_scores)

if __name__ == "__main__":
    import jax
    _d = setup_inputs()
    print(jax.jit(kernel)(*tuple(_d.values())))

</pallas_src>

<mosaic_0001>
#map = affine_map<(d0, d1) -> (0)>
#map1 = affine_map<(d0, d1) -> (0, 0)>
module attributes {stable_mosaic.version = 14 : i64} {
  func.func @k(%arg0: i32, %arg1: i32, %arg2: memref<32768xi32, #tpu.memory_space<hbm>>, %arg3: memref<32768xi32, #tpu.memory_space<hbm>>, %arg4: memref<32768xi32, #tpu.memory_space<hbm>>, %arg5: memref<1000000x32xf32, #tpu.memory_space<hbm>>, %arg6: memref<1000000x32xf32, #tpu.memory_space<hbm>>, %arg7: memref<1000000x32xf32, #tpu.memory_space<hbm>>, %arg8: memref<1000000x32xf32, #tpu.memory_space<hbm>>, %arg9: memref<32768xf32, #tpu.memory_space<hbm>>, %arg10: memref<128xi32, #tpu.memory_space<vmem>>, %arg11: memref<128xi32, #tpu.memory_space<vmem>>, %arg12: memref<128xi32, #tpu.memory_space<vmem>>, %arg13: memref<128x32xf32, #tpu.memory_space<vmem>>, %arg14: memref<128x32xf32, #tpu.memory_space<vmem>>, %arg15: memref<128x32xf32, #tpu.memory_space<vmem>>, %arg16: memref<128x32xf32, #tpu.memory_space<vmem>>, %arg17: memref<128x32xf32, #tpu.memory_space<vmem>>, %arg18: memref<128x32xf32, #tpu.memory_space<vmem>>, %arg19: memref<128xf32, #tpu.memory_space<vmem>>, %arg20: memref<!tpu.dma_semaphore, #tpu.memory_space<semaphore_mem>>) attributes {dimension_semantics = [#tpu.dimension_semantics<core_parallel>, #tpu.dimension_semantics<subcore_parallel>], iteration_bounds = array<i64: 2, 16>, scalar_prefetch = 0 : i64, scratch_operands = 11 : i64, tpu.core_type = #tpu.core_type<sc_vector_subcore>, window_params = [{transform_indices = #map}, {transform_indices = #map}, {transform_indices = #map}, {transform_indices = #map1}, {transform_indices = #map1}, {transform_indices = #map1}, {transform_indices = #map1}, {transform_indices = #map}]} {
    %mul3A = arith.constant 2 : i32
    %mul3A_0 = arith.muli %arg1, %mul3A : i32
    %add3A = arith.addi %mul3A_0, %arg0 : i32
    %mul3A_1 = arith.constant 1024 : i32
    %mul3A_2 = arith.muli %add3A, %mul3A_1 : i32
    %scan3A = arith.constant 0 : i32
    %scan3A_3 = arith.constant 0 : i32
    %scan3A_4 = arith.constant 8 : i32
    %scan3A_5 = arith.addi %scan3A_3, %scan3A_4 : i32
    %scan3A_6 = arith.constant 1 : i32
    scf.for %scan3A_8 = %scan3A_3 to %scan3A_5 step %scan3A_6  : i32 {
      %mul3A_9 = arith.constant 128 : i32
      %mul3A_10 = arith.muli %scan3A_8, %mul3A_9 : i32
      %add3A_11 = arith.addi %mul3A_2, %mul3A_10 : i32
      "tpu.region"() ({
        %run_scoped3A = tpu.sem_alloc : memref<!tpu.dma_semaphore, #tpu.memory_space<semaphore_mem>>
        %dma_start3A_52 = tpu.memref_slice %arg2[%add3A_11] : memref<32768xi32, #tpu.memory_space<hbm>> -> memref<128xi32, #tpu.memory_space<hbm>>
        %dma_start3A_53 = tpu.memref_slice %arg2[%add3A_11] : memref<32768xi32, #tpu.memory_space<hbm>> -> memref<128xi32, #tpu.memory_space<hbm>>
        tpu.enqueue_dma source(%dma_start3A_53 : memref<128xi32, #tpu.memory_space<hbm>>) target(%arg10 : memref<128xi32, #tpu.memory_space<vmem>>) target_semaphore(%run_scoped3A : memref<!tpu.dma_semaphore, #tpu.memory_space<semaphore_mem>>)
        %dma_wait3A_54 = tpu.memref_slice %arg2[%add3A_11] : memref<32768xi32, #tpu.memory_space<hbm>> -> memref<128xi32, #tpu.memory_space<hbm>>
        %dma_wait3A_55 = tpu.memref_slice %arg2[%add3A_11] : memref<32768xi32, #tpu.memory_space<hbm>> -> memref<128xi32, #tpu.memory_space<hbm>>
        tpu.wait_dma2 semaphore(%run_scoped3A : memref<!tpu.dma_semaphore, #tpu.memory_space<semaphore_mem>>) src(%dma_wait3A_55 : memref<128xi32, #tpu.memory_space<hbm>>) dst(%arg10 : memref<128xi32, #tpu.memory_space<vmem>>)
        tpu.yield
      }) : () -> ()
      "tpu.region"() ({
        %run_scoped3A = tpu.sem_alloc : memref<!tpu.dma_semaphore, #tpu.memory_space<semaphore_mem>>
        %dma_start3A_52 = tpu.memref_slice %arg3[%add3A_11] : memref<32768xi32, #tpu.memory_space<hbm>> -> memref<128xi32, #tpu.memory_space<hbm>>
        %dma_start3A_53 = tpu.memref_slice %arg3[%add3A_11] : memref<32768xi32, #tpu.memory_space<hbm>> -> memref<128xi32, #tpu.memory_space<hbm>>
        tpu.enqueue_dma source(%dma_start3A_53 : memref<128xi32, #tpu.memory_space<hbm>>) target(%arg11 : memref<128xi32, #tpu.memory_space<vmem>>) target_semaphore(%run_scoped3A : memref<!tpu.dma_semaphore, #tpu.memory_space<semaphore_mem>>)
        %dma_wait3A_54 = tpu.memref_slice %arg3[%add3A_11] : memref<32768xi32, #tpu.memory_space<hbm>> -> memref<128xi32, #tpu.memory_space<hbm>>
        %dma_wait3A_55 = tpu.memref_slice %arg3[%add3A_11] : memref<32768xi32, #tpu.memory_space<hbm>> -> memref<128xi32, #tpu.memory_space<hbm>>
        tpu.wait_dma2 semaphore(%run_scoped3A : memref<!tpu.dma_semaphore, #tpu.memory_space<semaphore_mem>>) src(%dma_wait3A_55 : memref<128xi32, #tpu.memory_space<hbm>>) dst(%arg11 : memref<128xi32, #tpu.memory_space<vmem>>)
        tpu.yield
      }) : () -> ()
      "tpu.region"() ({
        %run_scoped3A = tpu.sem_alloc : memref<!tpu.dma_semaphore, #tpu.memory_space<semaphore_mem>>
        %dma_start3A_52 = tpu.memref_slice %arg4[%add3A_11] : memref<32768xi32, #tpu.memory_space<hbm>> -> memref<128xi32, #tpu.memory_space<hbm>>
        %dma_start3A_53 = tpu.memref_slice %arg4[%add3A_11] : memref<32768xi32, #tpu.memory_space<hbm>> -> memref<128xi32, #tpu.memory_space<hbm>>
        tpu.enqueue_dma source(%dma_start3A_53 : memref<128xi32, #tpu.memory_space<hbm>>) target(%arg12 : memref<128xi32, #tpu.memory_space<vmem>>) target_semaphore(%run_scoped3A : memref<!tpu.dma_semaphore, #tpu.memory_space<semaphore_mem>>)
        %dma_wait3A_54 = tpu.memref_slice %arg4[%add3A_11] : memref<32768xi32, #tpu.memory_space<hbm>> -> memref<128xi32, #tpu.memory_space<hbm>>
        %dma_wait3A_55 = tpu.memref_slice %arg4[%add3A_11] : memref<32768xi32, #tpu.memory_space<hbm>> -> memref<128xi32, #tpu.memory_space<hbm>>
        tpu.wait_dma2 semaphore(%run_scoped3A : memref<!tpu.dma_semaphore, #tpu.memory_space<semaphore_mem>>) src(%dma_wait3A_55 : memref<128xi32, #tpu.memory_space<hbm>>) dst(%arg12 : memref<128xi32, #tpu.memory_space<vmem>>)
        tpu.yield
      }) : () -> ()
      %dma_start3A = arith.constant 0 : i32
      %dma_start3A_12 = arith.constant 0 : i32
      %dma_start3A_13 = tpu.memref_slice %arg5[%dma_start3A, %dma_start3A_12] : memref<1000000x32xf32, #tpu.memory_space<hbm>> -> memref<1000000x32xf32, #tpu.memory_space<hbm>>
      tpu.enqueue_indirect_dma source(%dma_start3A_13 : memref<1000000x32xf32, #tpu.memory_space<hbm>>) target(%arg13 : memref<128x32xf32, #tpu.memory_space<vmem>>) offsets(%arg10 : memref<128xi32, #tpu.memory_space<vmem>>) semaphore(%arg20 : memref<!tpu.dma_semaphore, #tpu.memory_space<semaphore_mem>>)
      %dma_start3A_14 = arith.constant 0 : i32
      %dma_start3A_15 = arith.constant 0 : i32
      %dma_start3A_16 = tpu.memref_slice %arg6[%dma_start3A_14, %dma_start3A_15] : memref<1000000x32xf32, #tpu.memory_space<hbm>> -> memref<1000000x32xf32, #tpu.memory_space<hbm>>
      tpu.enqueue_indirect_dma source(%dma_start3A_16 : memref<1000000x32xf32, #tpu.memory_space<hbm>>) target(%arg14 : memref<128x32xf32, #tpu.memory_space<vmem>>) offsets(%arg10 : memref<128xi32, #tpu.memory_space<vmem>>) semaphore(%arg20 : memref<!tpu.dma_semaphore, #tpu.memory_space<semaphore_mem>>)
      %dma_start3A_17 = arith.constant 0 : i32
      %dma_start3A_18 = arith.constant 0 : i32
      %dma_start3A_19 = tpu.memref_slice %arg5[%dma_start3A_17, %dma_start3A_18] : memref<1000000x32xf32, #tpu.memory_space<hbm>> -> memref<1000000x32xf32, #tpu.memory_space<hbm>>
      tpu.enqueue_indirect_dma source(%dma_start3A_19 : memref<1000000x32xf32, #tpu.memory_space<hbm>>) target(%arg15 : memref<128x32xf32, #tpu.memory_space<vmem>>) offsets(%arg12 : memref<128xi32, #tpu.memory_space<vmem>>) semaphore(%arg20 : memref<!tpu.dma_semaphore, #tpu.memory_space<semaphore_mem>>)
      %dma_start3A_20 = arith.constant 0 : i32
      %dma_start3A_21 = arith.constant 0 : i32
      %dma_start3A_22 = tpu.memref_slice %arg6[%dma_start3A_20, %dma_start3A_21] : memref<1000000x32xf32, #tpu.memory_space<hbm>> -> memref<1000000x32xf32, #tpu.memory_space<hbm>>
      tpu.enqueue_indirect_dma source(%dma_start3A_22 : memref<1000000x32xf32, #tpu.memory_space<hbm>>) target(%arg16 : memref<128x32xf32, #tpu.memory_space<vmem>>) offsets(%arg12 : memref<128xi32, #tpu.memory_space<vmem>>) semaphore(%arg20 : memref<!tpu.dma_semaphore, #tpu.memory_space<semaphore_mem>>)
      %dma_start3A_23 = arith.constant 0 : i32
      %dma_start3A_24 = arith.constant 0 : i32
      %dma_start3A_25 = tpu.memref_slice %arg7[%dma_start3A_23, %dma_start3A_24] : memref<1000000x32xf32, #tpu.memory_space<hbm>> -> memref<1000000x32xf32, #tpu.memory_space<hbm>>
      tpu.enqueue_indirect_dma source(%dma_start3A_25 : memref<1000000x32xf32, #tpu.memory_space<hbm>>) target(%arg17 : memref<128x32xf32, #tpu.memory_space<vmem>>) offsets(%arg11 : memref<128xi32, #tpu.memory_space<vmem>>) semaphore(%arg20 : memref<!tpu.dma_semaphore, #tpu.memory_space<semaphore_mem>>)
      %dma_start3A_26 = arith.constant 0 : i32
      %dma_start3A_27 = arith.constant 0 : i32
      %dma_start3A_28 = tpu.memref_slice %arg8[%dma_start3A_26, %dma_start3A_27] : memref<1000000x32xf32, #tpu.memory_space<hbm>> -> memref<1000000x32xf32, #tpu.memory_space<hbm>>
      tpu.enqueue_indirect_dma source(%dma_start3A_28 : memref<1000000x32xf32, #tpu.memory_space<hbm>>) target(%arg18 : memref<128x32xf32, #tpu.memory_space<vmem>>) offsets(%arg11 : memref<128xi32, #tpu.memory_space<vmem>>) semaphore(%arg20 : memref<!tpu.dma_semaphore, #tpu.memory_space<semaphore_mem>>)
      %dma_wait3A = arith.constant 0 : i32
      %dma_wait3A_29 = arith.constant 0 : i32
      %dma_wait3A_30 = tpu.memref_slice %arg5[%dma_wait3A, %dma_wait3A_29] : memref<1000000x32xf32, #tpu.memory_space<hbm>> -> memref<1000000x32xf32, #tpu.memory_space<hbm>>
      tpu.wait_indirect_dma semaphore(%arg20 : memref<!tpu.dma_semaphore, #tpu.memory_space<semaphore_mem>>) src(%dma_wait3A_30 : memref<1000000x32xf32, #tpu.memory_space<hbm>>) dst(%arg13 : memref<128x32xf32, #tpu.memory_space<vmem>>)
      %dma_wait3A_31 = arith.constant 0 : i32
      %dma_wait3A_32 = arith.constant 0 : i32
      %dma_wait3A_33 = tpu.memref_slice %arg6[%dma_wait3A_31, %dma_wait3A_32] : memref<1000000x32xf32, #tpu.memory_space<hbm>> -> memref<1000000x32xf32, #tpu.memory_space<hbm>>
      tpu.wait_indirect_dma semaphore(%arg20 : memref<!tpu.dma_semaphore, #tpu.memory_space<semaphore_mem>>) src(%dma_wait3A_33 : memref<1000000x32xf32, #tpu.memory_space<hbm>>) dst(%arg14 : memref<128x32xf32, #tpu.memory_space<vmem>>)
      %dma_wait3A_34 = arith.constant 0 : i32
      %dma_wait3A_35 = arith.constant 0 : i32
      %dma_wait3A_36 = tpu.memref_slice %arg5[%dma_wait3A_34, %dma_wait3A_35] : memref<1000000x32xf32, #tpu.memory_space<hbm>> -> memref<1000000x32xf32, #tpu.memory_space<hbm>>
      tpu.wait_indirect_dma semaphore(%arg20 : memref<!tpu.dma_semaphore, #tpu.memory_space<semaphore_mem>>) src(%dma_wait3A_36 : memref<1000000x32xf32, #tpu.memory_space<hbm>>) dst(%arg15 : memref<128x32xf32, #tpu.memory_space<vmem>>)
      %dma_wait3A_37 = arith.constant 0 : i32
      %dma_wait3A_38 = arith.constant 0 : i32
      %dma_wait3A_39 = tpu.memref_slice %arg6[%dma_wait3A_37, %dma_wait3A_38] : memref<1000000x32xf32, #tpu.memory_space<hbm>> -> memref<1000000x32xf32, #tpu.memory_space<hbm>>
      tpu.wait_indirect_dma semaphore(%arg20 : memref<!tpu.dma_semaphore, #tpu.memory_space<semaphore_mem>>) src(%dma_wait3A_39 : memref<1000000x32xf32, #tpu.memory_space<hbm>>) dst(%arg16 : memref<128x32xf32, #tpu.memory_space<vmem>>)
      %dma_wait3A_40 = arith.constant 0 : i32
      %dma_wait3A_41 = arith.constant 0 : i32
      %dma_wait3A_42 = tpu.memref_slice %arg7[%dma_wait3A_40, %dma_wait3A_41] : memref<1000000x32xf32, #tpu.memory_space<hbm>> -> memref<1000000x32xf32, #tpu.memory_space<hbm>>
      tpu.wait_indirect_dma semaphore(%arg20 : memref<!tpu.dma_semaphore, #tpu.memory_space<semaphore_mem>>) src(%dma_wait3A_42 : memref<1000000x32xf32, #tpu.memory_space<hbm>>) dst(%arg17 : memref<128x32xf32, #tpu.memory_space<vmem>>)
      %dma_wait3A_43 = arith.constant 0 : i32
      %dma_wait3A_44 = arith.constant 0 : i32
      %dma_wait3A_45 = tpu.memref_slice %arg8[%dma_wait3A_43, %dma_wait3A_44] : memref<1000000x32xf32, #tpu.memory_space<hbm>> -> memref<1000000x32xf32, #tpu.memory_space<hbm>>
      tpu.wait_indirect_dma semaphore(%arg20 : memref<!tpu.dma_semaphore, #tpu.memory_space<semaphore_mem>>) src(%dma_wait3A_45 : memref<1000000x32xf32, #tpu.memory_space<hbm>>) dst(%arg18 : memref<128x32xf32, #tpu.memory_space<vmem>>)
      %scan3A_46 = arith.constant 0 : i32
      %scan3A_47 = arith.constant 0 : i32
      %scan3A_48 = arith.constant 8 : i32
      %scan3A_49 = arith.addi %scan3A_47, %scan3A_48 : i32
      %scan3A_50 = arith.constant 1 : i32
      scf.for %scan3A_52 = %scan3A_47 to %scan3A_49 step %scan3A_50  : i32 {
        %mul3A_53 = arith.constant 16 : i32
        %mul3A_54 = arith.muli %scan3A_52, %mul3A_53 : i32
        %iota3A = tpu.iota {dimensions = array<i32: 0>} : vector<16xi32>
        %add3A_55 = vector.broadcast %mul3A_54 : i32 to vector<16xi32>
        %add3A_56 = arith.addi %add3A_55, %iota3A : vector<16xi32>
        %broadcast_in_dim3A = arith.constant 0.000000e+00 : f32
        %broadcast_in_dim3A_57 = vector.broadcast %broadcast_in_dim3A : f32 to vector<16xf32>
        %broadcast_in_dim3A_58 = arith.constant 0 : i32
        %broadcast_in_dim3A_59 = vector.broadcast %broadcast_in_dim3A_58 : i32 to vector<16xi32>
        %gather3A = tpu.vector_load_idx %arg13[%add3A_56, %broadcast_in_dim3A_59] : memref<128x32xf32, #tpu.memory_space<vmem>>[vector<16xi32>, vector<16xi32>], vector<16xf32>,
        %gather3A_60 = tpu.vector_load_idx %arg14[%add3A_56, %broadcast_in_dim3A_59] : memref<128x32xf32, #tpu.memory_space<vmem>>[vector<16xi32>, vector<16xi32>], vector<16xf32>,
        %gather3A_61 = tpu.vector_load_idx %arg15[%add3A_56, %broadcast_in_dim3A_59] : memref<128x32xf32, #tpu.memory_space<vmem>>[vector<16xi32>, vector<16xi32>], vector<16xf32>,
        %gather3A_62 = tpu.vector_load_idx %arg16[%add3A_56, %broadcast_in_dim3A_59] : memref<128x32xf32, #tpu.memory_space<vmem>>[vector<16xi32>, vector<16xi32>], vector<16xf32>,
        %gather3A_63 = tpu.vector_load_idx %arg17[%add3A_56, %broadcast_in_dim3A_59] : memref<128x32xf32, #tpu.memory_space<vmem>>[vector<16xi32>, vector<16xi32>], vector<16xf32>,
        %gather3A_64 = tpu.vector_load_idx %arg18[%add3A_56, %broadcast_in_dim3A_59] : memref<128x32xf32, #tpu.memory_space<vmem>>[vector<16xi32>, vector<16xi32>], vector<16xf32>,
        %mul3A_65 = arith.mulf %gather3A, %gather3A_61 : vector<16xf32>
        %mul3A_66 = arith.mulf %gather3A_60, %gather3A_62 : vector<16xf32>
        %add3A_67 = arith.addf %mul3A_65, %mul3A_66 : vector<16xf32>
        %mul3A_68 = arith.mulf %gather3A_63, %add3A_67 : vector<16xf32>
        %add3A_69 = arith.addf %broadcast_in_dim3A_57, %mul3A_68 : vector<16xf32>
        %mul3A_70 = arith.mulf %gather3A, %gather3A_62 : vector<16xf32>
        %mul3A_71 = arith.mulf %gather3A_60, %gather3A_61 : vector<16xf32>
        %sub3A = arith.subf %mul3A_70, %mul3A_71 : vector<16xf32>
        %mul3A_72 = arith.mulf %gather3A_64, %sub3A : vector<16xf32>
        %add3A_73 = arith.addf %add3A_69, %mul3A_72 : vector<16xf32>
        %broadcast_in_dim3A_74 = arith.constant 1 : i32
        %broadcast_in_dim3A_75 = vector.broadcast %broadcast_in_dim3A_74 : i32 to vector<16xi32>
        %gather3A_76 = tpu.vector_load_idx %arg13[%add3A_56, %broadcast_in_dim3A_75] : memref<128x32xf32, #tpu.memory_space<vmem>>[vector<16xi32>, vector<16xi32>], vector<16xf32>,
        %gather3A_77 = tpu.vector_load_idx %arg14[%add3A_56, %broadcast_in_dim3A_75] : memref<128x32xf32, #tpu.memory_space<vmem>>[vector<16xi32>, vector<16xi32>], vector<16xf32>,
        %gather3A_78 = tpu.vector_load_idx %arg15[%add3A_56, %broadcast_in_dim3A_75] : memref<128x32xf32, #tpu.memory_space<vmem>>[vector<16xi32>, vector<16xi32>], vector<16xf32>,
        %gather3A_79 = tpu.vector_load_idx %arg16[%add3A_56, %broadcast_in_dim3A_75] : memref<128x32xf32, #tpu.memory_space<vmem>>[vector<16xi32>, vector<16xi32>], vector<16xf32>,
        %gather3A_80 = tpu.vector_load_idx %arg17[%add3A_56, %broadcast_in_dim3A_75] : memref<128x32xf32, #tpu.memory_space<vmem>>[vector<16xi32>, vector<16xi32>], vector<16xf32>,
        %gather3A_81 = tpu.vector_load_idx %arg18[%add3A_56, %broadcast_in_dim3A_75] : memref<128x32xf32, #tpu.memory_space<vmem>>[vector<16xi32>, vector<16xi32>], vector<16xf32>,
        %mul3A_82 = arith.mulf %gather3A_76, %gather3A_78 : vector<16xf32>
        %mul3A_83 = arith.mulf %gather3A_77, %gather3A_79 : vector<16xf32>
        %add3A_84 = arith.addf %mul3A_82, %mul3A_83 : vector<16xf32>
        %mul3A_85 = arith.mulf %gather3A_80, %add3A_84 : vector<16xf32>
        %add3A_86 = arith.addf %add3A_73, %mul3A_85 : vector<16xf32>
        %mul3A_87 = arith.mulf %gather3A_76, %gather3A_79 : vector<16xf32>
        %mul3A_88 = arith.mulf %gather3A_77, %gather3A_78 : vector<16xf32>
        %sub3A_89 = arith.subf %mul3A_87, %mul3A_88 : vector<16xf32>
        %mul3A_90 = arith.mulf %gather3A_81, %sub3A_89 : vector<16xf32>
        %add3A_91 = arith.addf %add3A_86, %mul3A_90 : vector<16xf32>
        %broadcast_in_dim3A_92 = arith.constant 2 : i32
        %broadcast_in_dim3A_93 = vector.broadcast %broadcast_in_dim3A_92 : i32 to vector<16xi32>
        %gather3A_94 = tpu.vector_load_idx %arg13[%add3A_56, %broadcast_in_dim3A_93] : memref<128x32xf32, #tpu.memory_space<vmem>>[vector<16xi32>, vector<16xi32>], vector<16xf32>,
        %gather3A_95 = tpu.vector_load_idx %arg14[%add3A_56, %broadcast_in_dim3A_93] : memref<128x32xf32, #tpu.memory_space<vmem>>[vector<16xi32>, vector<16xi32>], vector<16xf32>,
        %gather3A_96 = tpu.vector_load_idx %arg15[%add3A_56, %broadcast_in_dim3A_93] : memref<128x32xf32, #tpu.memory_space<vmem>>[vector<16xi32>, vector<16xi32>], vector<16xf32>,
        %gather3A_97 = tpu.vector_load_idx %arg16[%add3A_56, %broadcast_in_dim3A_93] : memref<128x32xf32, #tpu.memory_space<vmem>>[vector<16xi32>, vector<16xi32>], vector<16xf32>,
        %gather3A_98 = tpu.vector_load_idx %arg17[%add3A_56, %broadcast_in_dim3A_93] : memref<128x32xf32, #tpu.memory_space<vmem>>[vector<16xi32>, vector<16xi32>], vector<16xf32>,
        %gather3A_99 = tpu.vector_load_idx %arg18[%add3A_56, %broadcast_in_dim3A_93] : memref<128x32xf32, #tpu.memory_space<vmem>>[vector<16xi32>, vector<16xi32>], vector<16xf32>,
        %mul3A_100 = arith.mulf %gather3A_94, %gather3A_96 : vector<16xf32>
        %mul3A_101 = arith.mulf %gather3A_95, %gather3A_97 : vector<16xf32>
        %add3A_102 = arith.addf %mul3A_100, %mul3A_101 : vector<16xf32>
        %mul3A_103 = arith.mulf %gather3A_98, %add3A_102 : vector<16xf32>
        %add3A_104 = arith.addf %add3A_91, %mul3A_103 : vector<16xf32>
        %mul3A_105 = arith.mulf %gather3A_94, %gather3A_97 : vector<16xf32>
        %mul3A_106 = arith.mulf %gather3A_95, %gather3A_96 : vector<16xf32>
        %sub3A_107 = arith.subf %mul3A_105, %mul3A_106 : vector<16xf32>
        %mul3A_108 = arith.mulf %gather3A_99, %sub3A_107 : vector<16xf32>
        %add3A_109 = arith.addf %add3A_104, %mul3A_108 : vector<16xf32>
        %broadcast_in_dim3A_110 = arith.constant 3 : i32
        %broadcast_in_dim3A_111 = vector.broadcast %broadcast_in_dim3A_110 : i32 to vector<16xi32>
        %gather3A_112 = tpu.vector_load_idx %arg13[%add3A_56, %broadcast_in_dim3A_111] : memref<128x32xf32, #tpu.memory_space<vmem>>[vector<16xi32>, vector<16xi32>], vector<16xf32>,
        %gather3A_113 = tpu.vector_load_idx %arg14[%add3A_56, %broadcast_in_dim3A_111] : memref<128x32xf32, #tpu.memory_space<vmem>>[vector<16xi32>, vector<16xi32>], vector<16xf32>,
        %gather3A_114 = tpu.vector_load_idx %arg15[%add3A_56, %broadcast_in_dim3A_111] : memref<128x32xf32, #tpu.memory_space<vmem>>[vector<16xi32>, vector<16xi32>], vector<16xf32>,
        %gather3A_115 = tpu.vector_load_idx %arg16[%add3A_56, %broadcast_in_dim3A_111] : memref<128x32xf32, #tpu.memory_space<vmem>>[vector<16xi32>, vector<16xi32>], vector<16xf32>,
        %gather3A_116 = tpu.vector_load_idx %arg17[%add3A_56, %broadcast_in_dim3A_111] : memref<128x32xf32, #tpu.memory_space<vmem>>[vector<16xi32>, vector<16xi32>], vector<16xf32>,
        %gather3A_117 = tpu.vector_load_idx %arg18[%add3A_56, %broadcast_in_dim3A_111] : memref<128x32xf32, #tpu.memory_space<vmem>>[vector<16xi32>, vector<16xi32>], vector<16xf32>,
        %mul3A_118 = arith.mulf %gather3A_112, %gather3A_114 : vector<16xf32>
        %mul3A_119 = arith.mulf %gather3A_113, %gather3A_115 : vector<16xf32>
        %add3A_120 = arith.addf %mul3A_118, %mul3A_119 : vector<16xf32>
        %mul3A_121 = arith.mulf %gather3A_116, %add3A_120 : vector<16xf32>
        %add3A_122 = arith.addf %add3A_109, %mul3A_121 : vector<16xf32>
        %mul3A_123 = arith.mulf %gather3A_112, %gather3A_115 : vector<16xf32>
        %mul3A_124 = arith.mulf %gather3A_113, %gather3A_114 : vector<16xf32>
        %sub3A_125 = arith.subf %mul3A_123, %mul3A_124 : vector<16xf32>
        %mul3A_126 = arith.mulf %gather3A_117, %sub3A_125 : vector<16xf32>
        %add3A_127 = arith.addf %add3A_122, %mul3A_126 : vector<16xf32>
        %broadcast_in_dim3A_128 = arith.constant 4 : i32
        %broadcast_in_dim3A_129 = vector.broadcast %broadcast_in_dim3A_128 : i32 to vector<16xi32>
        %gather3A_130 = tpu.vector_load_idx %arg13[%add3A_56, %broadcast_in_dim3A_129] : memref<128x32xf32, #tpu.memory_space<vmem>>[vector<16xi32>, vector<16xi32>], vector<16xf32>,
        %gather3A_131 = tpu.vector_load_idx %arg14[%add3A_56, %broadcast_in_dim3A_129] : memref<128x32xf32, #tpu.memory_space<vmem>>[vector<16xi32>, vector<16xi32>], vector<16xf32>,
        %gather3A_132 = tpu.vector_load_idx %arg15[%add3A_56, %broadcast_in_dim3A_129] : memref<128x32xf32, #tpu.memory_space<vmem>>[vector<16xi32>, vector<16xi32>], vector<16xf32>,
        %gather3A_133 = tpu.vector_load_idx %arg16[%add3A_56, %broadcast_in_dim3A_129] : memref<128x32xf32, #tpu.memory_space<vmem>>[vector<16xi32>, vector<16xi32>], vector<16xf32>,
        %gather3A_134 = tpu.vector_load_idx %arg17[%add3A_56, %broadcast_in_dim3A_129] : memref<128x32xf32, #tpu.memory_space<vmem>>[vector<16xi32>, vector<16xi32>], vector<16xf32>,
        %gather3A_135 = tpu.vector_load_idx %arg18[%add3A_56, %broadcast_in_dim3A_129] : memref<128x32xf32, #tpu.memory_space<vmem>>[vector<16xi32>, vector<16xi32>], vector<16xf32>,
        %mul3A_136 = arith.mulf %gather3A_130, %gather3A_132 : vector<16xf32>
        %mul3A_137 = arith.mulf %gather3A_131, %gather3A_133 : vector<16xf32>
        %add3A_138 = arith.addf %mul3A_136, %mul3A_137 : vector<16xf32>
        %mul3A_139 = arith.mulf %gather3A_134, %add3A_138 : vector<16xf32>
        %add3A_140 = arith.addf %add3A_127, %mul3A_139 : vector<16xf32>
        %mul3A_141 = arith.mulf %gather3A_130, %gather3A_133 : vector<16xf32>
        %mul3A_142 = arith.mulf %gather3A_131, %gather3A_132 : vector<16xf32>
        %sub3A_143 = arith.subf %mul3A_141, %mul3A_142 : vector<16xf32>
        %mul3A_144 = arith.mulf %gather3A_135, %sub3A_143 : vector<16xf32>
        %add3A_145 = arith.addf %add3A_140, %mul3A_144 : vector<16xf32>
        %broadcast_in_dim3A_146 = arith.constant 5 : i32
        %broadcast_in_dim3A_147 = vector.broadcast %broadcast_in_dim3A_146 : i32 to vector<16xi32>
        %gather3A_148 = tpu.vector_load_idx %arg13[%add3A_56, %broadcast_in_dim3A_147] : memref<128x32xf32, #tpu.memory_space<vmem>>[vector<16xi32>, vector<16xi32>], vector<16xf32>,
        %gather3A_149 = tpu.vector_load_idx %arg14[%add3A_56, %broadcast_in_dim3A_147] : memref<128x32xf32, #tpu.memory_space<vmem>>[vector<16xi32>, vector<16xi32>], vector<16xf32>,
        %gather3A_150 = tpu.vector_load_idx %arg15[%add3A_56, %broadcast_in_dim3A_147] : memref<128x32xf32, #tpu.memory_space<vmem>>[vector<16xi32>, vector<16xi32>], vector<16xf32>,
        %gather3A_151 = tpu.vector_load_idx %arg16[%add3A_56, %broadcast_in_dim3A_147] : memref<128x32xf32, #tpu.memory_space<vmem>>[vector<16xi32>, vector<16xi32>], vector<16xf32>,
        %gather3A_152 = tpu.vector_load_idx %arg17[%add3A_56, %broadcast_in_dim3A_147] : memref<128x32xf32, #tpu.memory_space<vmem>>[vector<16xi32>, vector<16xi32>], vector<16xf32>,
        %gather3A_153 = tpu.vector_load_idx %arg18[%add3A_56, %broadcast_in_dim3A_147] : memref<128x32xf32, #tpu.memory_space<vmem>>[vector<16xi32>, vector<16xi32>], vector<16xf32>,
        %mul3A_154 = arith.mulf %gather3A_148, %gather3A_150 : vector<16xf32>
        %mul3A_155 = arith.mulf %gather3A_149, %gather3A_151 : vector<16xf32>
        %add3A_156 = arith.addf %mul3A_154, %mul3A_155 : vector<16xf32>
        %mul3A_157 = arith.mulf %gather3A_152, %add3A_156 : vector<16xf32>
        %add3A_158 = arith.addf %add3A_145, %mul3A_157 : vector<16xf32>
        %mul3A_159 = arith.mulf %gather3A_148, %gather3A_151 : vector<16xf32>
        %mul3A_160 = arith.mulf %gather3A_149, %gather3A_150 : vector<16xf32>
        %sub3A_161 = arith.subf %mul3A_159, %mul3A_160 : vector<16xf32>
        %mul3A_162 = arith.mulf %gather3A_153, %sub3A_161 : vector<16xf32>
        %add3A_163 = arith.addf %add3A_158, %mul3A_162 : vector<16xf32>
        %broadcast_in_dim3A_164 = arith.constant 6 : i32
        %broadcast_in_dim3A_165 = vector.broadcast %broadcast_in_dim3A_164 : i32 to vector<16xi32>
        %gather3A_166 = tpu.vector_load_idx %arg13[%add3A_56, %broadcast_in_dim3A_165] : memref<128x32xf32, #tpu.memory_space<vmem>>[vector<16xi32>, vector<16xi32>], vector<16xf32>,
        %gather3A_167 = tpu.vector_load_idx %arg14[%add3A_56, %broadcast_in_dim3A_165] : memref<128x32xf32, #tpu.memory_space<vmem>>[vector<16xi32>, vector<16xi32>], vector<16xf32>,
        %gather3A_168 = tpu.vector_load_idx %arg15[%add3A_56, %broadcast_in_dim3A_165] : memref<128x32xf32, #tpu.memory_space<vmem>>[vector<16xi32>, vector<16xi32>], vector<16xf32>,
        %gather3A_169 = tpu.vector_load_idx %arg16[%add3A_56, %broadcast_in_dim3A_165] : memref<128x32xf32, #tpu.memory_space<vmem>>[vector<16xi32>, vector<16xi32>], vector<16xf32>,
        %gather3A_170 = tpu.vector_load_idx %arg17[%add3A_56, %broadcast_in_dim3A_165] : memref<128x32xf32, #tpu.memory_space<vmem>>[vector<16xi32>, vector<16xi32>], vector<16xf32>,
        %gather3A_171 = tpu.vector_load_idx %arg18[%add3A_56, %broadcast_in_dim3A_165] : memref<128x32xf32, #tpu.memory_space<vmem>>[vector<16xi32>, vector<16xi32>], vector<16xf32>,
        %mul3A_172 = arith.mulf %gather3A_166, %gather3A_168 : vector<16xf32>
        %mul3A_173 = arith.mulf %gather3A_167, %gather3A_169 : vector<16xf32>
        %add3A_174 = arith.addf %mul3A_172, %mul3A_173 : vector<16xf32>
        %mul3A_175 = arith.mulf %gather3A_170, %add3A_174 : vector<16xf32>
        %add3A_176 = arith.addf %add3A_163, %mul3A_175 : vector<16xf32>
        %mul3A_177 = arith.mulf %gather3A_166, %gather3A_169 : vector<16xf32>
        %mul3A_178 = arith.mulf %gather3A_167, %gather3A_168 : vector<16xf32>
        %sub3A_179 = arith.subf %mul3A_177, %mul3A_178 : vector<16xf32>
        %mul3A_180 = arith.mulf %gather3A_171, %sub3A_179 : vector<16xf32>
        %add3A_181 = arith.addf %add3A_176, %mul3A_180 : vector<16xf32>
        %broadcast_in_dim3A_182 = arith.constant 7 : i32
        %broadcast_in_dim3A_183 = vector.broadcast %broadcast_in_dim3A_182 : i32 to vector<16xi32>
        %gather3A_184 = tpu.vector_load_idx %arg13[%add3A_56, %broadcast_in_dim3A_183] : memref<128x32xf32, #tpu.memory_space<vmem>>[vector<16xi32>, vector<16xi32>], vector<16xf32>,
        %gather3A_185 = tpu.vector_load_idx %arg14[%add3A_56, %broadcast_in_dim3A_183] : memref<128x32xf32, #tpu.memory_space<vmem>>[vector<16xi32>, vector<16xi32>], vector<16xf32>,
        %gather3A_186 = tpu.vector_load_idx %arg15[%add3A_56, %broadcast_in_dim3A_183] : memref<128x32xf32, #tpu.memory_space<vmem>>[vector<16xi32>, vector<16xi32>], vector<16xf32>,
        %gather3A_187 = tpu.vector_load_idx %arg16[%add3A_56, %broadcast_in_dim3A_183] : memref<128x32xf32, #tpu.memory_space<vmem>>[vector<16xi32>, vector<16xi32>], vector<16xf32>,
        %gather3A_188 = tpu.vector_load_idx %arg17[%add3A_56, %broadcast_in_dim3A_183] : memref<128x32xf32, #tpu.memory_space<vmem>>[vector<16xi32>, vector<16xi32>], vector<16xf32>,
        %gather3A_189 = tpu.vector_load_idx %arg18[%add3A_56, %broadcast_in_dim3A_183] : memref<128x32xf32, #tpu.memory_space<vmem>>[vector<16xi32>, vector<16xi32>], vector<16xf32>,
        %mul3A_190 = arith.mulf %gather3A_184, %gather3A_186 : vector<16xf32>
        %mul3A_191 = arith.mulf %gather3A_185, %gather3A_187 : vector<16xf32>
        %add3A_192 = arith.addf %mul3A_190, %mul3A_191 : vector<16xf32>
        %mul3A_193 = arith.mulf %gather3A_188, %add3A_192 : vector<16xf32>
        %add3A_194 = arith.addf %add3A_181, %mul3A_193 : vector<16xf32>
        %mul3A_195 = arith.mulf %gather3A_184, %gather3A_187 : vector<16xf32>
        %mul3A_196 = arith.mulf %gather3A_185, %gather3A_186 : vector<16xf32>
        %sub3A_197 = arith.subf %mul3A_195, %mul3A_196 : vector<16xf32>
        %mul3A_198 = arith.mulf %gather3A_189, %sub3A_197 : vector<16xf32>
        %add3A_199 = arith.addf %add3A_194, %mul3A_198 : vector<16xf32>
        %broadcast_in_dim3A_200 = arith.constant 8 : i32
        %broadcast_in_dim3A_201 = vector.broadcast %broadcast_in_dim3A_200 : i32 to vector<16xi32>
        %gather3A_202 = tpu.vector_load_idx %arg13[%add3A_56, %broadcast_in_dim3A_201] : memref<128x32xf32, #tpu.memory_space<vmem>>[vector<16xi32>, vector<16xi32>], vector<16xf32>,
        %gather3A_203 = tpu.vector_load_idx %arg14[%add3A_56, %broadcast_in_dim3A_201] : memref<128x32xf32, #tpu.memory_space<vmem>>[vector<16xi32>, vector<16xi32>], vector<16xf32>,
        %gather3A_204 = tpu.vector_load_idx %arg15[%add3A_56, %broadcast_in_dim3A_201] : memref<128x32xf32, #tpu.memory_space<vmem>>[vector<16xi32>, vector<16xi32>], vector<16xf32>,
        %gather3A_205 = tpu.vector_load_idx %arg16[%add3A_56, %broadcast_in_dim3A_201] : memref<128x32xf32, #tpu.memory_space<vmem>>[vector<16xi32>, vector<16xi32>], vector<16xf32>,
        %gather3A_206 = tpu.vector_load_idx %arg17[%add3A_56, %broadcast_in_dim3A_201] : memref<128x32xf32, #tpu.memory_space<vmem>>[vector<16xi32>, vector<16xi32>], vector<16xf32>,
        %gather3A_207 = tpu.vector_load_idx %arg18[%add3A_56, %broadcast_in_dim3A_201] : memref<128x32xf32, #tpu.memory_space<vmem>>[vector<16xi32>, vector<16xi32>], vector<16xf32>,
        %mul3A_208 = arith.mulf %gather3A_202, %gather3A_204 : vector<16xf32>
        %mul3A_209 = arith.mulf %gather3A_203, %gather3A_205 : vector<16xf32>
        %add3A_210 = arith.addf %mul3A_208, %mul3A_209 : vector<16xf32>
        %mul3A_211 = arith.mulf %gather3A_206, %add3A_210 : vector<16xf32>
        %add3A_212 = arith.addf %add3A_199, %mul3A_211 : vector<16xf32>
        %mul3A_213 = arith.mulf %gather3A_202, %gather3A_205 : vector<16xf32>
        %mul3A_214 = arith.mulf %gather3A_203, %gather3A_204 : vector<16xf32>
        %sub3A_215 = arith.subf %mul3A_213, %mul3A_214 : vector<16xf32>
        %mul3A_216 = arith.mulf %gather3A_207, %sub3A_215 : vector<16xf32>
        %add3A_217 = arith.addf %add3A_212, %mul3A_216 : vector<16xf32>
        %broadcast_in_dim3A_218 = arith.constant 9 : i32
        %broadcast_in_dim3A_219 = vector.broadcast %broadcast_in_dim3A_218 : i32 to vector<16xi32>
        %gather3A_220 = tpu.vector_load_idx %arg13[%add3A_56, %broadcast_in_dim3A_219] : memref<128x32xf32, #tpu.memory_space<vmem>>[vector<16xi32>, vector<16xi32>], vector<16xf32>,
        %gather3A_221 = tpu.vector_load_idx %arg14[%add3A_56, %broadcast_in_dim3A_219] : memref<128x32xf32, #tpu.memory_space<vmem>>[vector<16xi32>, vector<16xi32>], vector<16xf32>,
        %gather3A_222 = tpu.vector_load_idx %arg15[%add3A_56, %broadcast_in_dim3A_219] : memref<128x32xf32, #tpu.memory_space<vmem>>[vector<16xi32>, vector<16xi32>], vector<16xf32>,
        %gather3A_223 = tpu.vector_load_idx %arg16[%add3A_56, %broadcast_in_dim3A_219] : memref<128x32xf32, #tpu.memory_space<vmem>>[vector<16xi32>, vector<16xi32>], vector<16xf32>,
        %gather3A_224 = tpu.vector_load_idx %arg17[%add3A_56, %broadcast_in_dim3A_219] : memref<128x32xf32, #tpu.memory_space<vmem>>[vector<16xi32>, vector<16xi32>], vector<16xf32>,
        %gather3A_225 = tpu.vector_load_idx %arg18[%add3A_56, %broadcast_in_dim3A_219] : memref<128x32xf32, #tpu.memory_space<vmem>>[vector<16xi32>, vector<16xi32>], vector<16xf32>,
        %mul3A_226 = arith.mulf %gather3A_220, %gather3A_222 : vector<16xf32>
        %mul3A_227 = arith.mulf %gather3A_221, %gather3A_223 : vector<16xf32>
        %add3A_228 = arith.addf %mul3A_226, %mul3A_227 : vector<16xf32>
        %mul3A_229 = arith.mulf %gather3A_224, %add3A_228 : vector<16xf32>
        %add3A_230 = arith.addf %add3A_217, %mul3A_229 : vector<16xf32>
        %mul3A_231 = arith.mulf %gather3A_220, %gather3A_223 : vector<16xf32>
        %mul3A_232 = arith.mulf %gather3A_221, %gather3A_222 : vector<16xf32>
        %sub3A_233 = arith.subf %mul3A_231, %mul3A_232 : vector<16xf32>
        %mul3A_234 = arith.mulf %gather3A_225, %sub3A_233 : vector<16xf32>
        %add3A_235 = arith.addf %add3A_230, %mul3A_234 : vector<16xf32>
        %broadcast_in_dim3A_236 = arith.constant 10 : i32
        %broadcast_in_dim3A_237 = vector.broadcast %broadcast_in_dim3A_236 : i32 to vector<16xi32>
        %gather3A_238 = tpu.vector_load_idx %arg13[%add3A_56, %broadcast_in_dim3A_237] : memref<128x32xf32, #tpu.memory_space<vmem>>[vector<16xi32>, vector<16xi32>], vector<16xf32>,
        %gather3A_239 = tpu.vector_load_idx %arg14[%add3A_56, %broadcast_in_dim3A_237] : memref<128x32xf32, #tpu.memory_space<vmem>>[vector<16xi32>, vector<16xi32>], vector<16xf32>,
        %gather3A_240 = tpu.vector_load_idx %arg15[%add3A_56, %broadcast_in_dim3A_237] : memref<128x32xf32, #tpu.memory_space<vmem>>[vector<16xi32>, vector<16xi32>], vector<16xf32>,
        %gather3A_241 = tpu.vector_load_idx %arg16[%add3A_56, %broadcast_in_dim3A_237] : memref<128x32xf32, #tpu.memory_space<vmem>>[vector<16xi32>, vector<16xi32>], vector<16xf32>,
        %gather3A_242 = tpu.vector_load_idx %arg17[%add3A_56, %broadcast_in_dim3A_237] : memref<128x32xf32, #tpu.memory_space<vmem>>[vector<16xi32>, vector<16xi32>], vector<16xf32>,
        %gather3A_243 = tpu.vector_load_idx %arg18[%add3A_56, %broadcast_in_dim3A_237] : memref<128x32xf32, #tpu.memory_space<vmem>>[vector<16xi32>, vector<16xi32>], vector<16xf32>,
        %mul3A_244 = arith.mulf %gather3A_238, %gather3A_240 : vector<16xf32>
        %mul3A_245 = arith.mulf %gather3A_239, %gather3A_241 : vector<16xf32>
        %add3A_246 = arith.addf %mul3A_244, %mul3A_245 : vector<16xf32>
        %mul3A_247 = arith.mulf %gather3A_242, %add3A_246 : vector<16xf32>
        %add3A_248 = arith.addf %add3A_235, %mul3A_247 : vector<16xf32>
        %mul3A_249 = arith.mulf %gather3A_238, %gather3A_241 : vector<16xf32>
        %mul3A_250 = arith.mulf %gather3A_239, %gather3A_240 : vector<16xf32>
        %sub3A_251 = arith.subf %mul3A_249, %mul3A_250 : vector<16xf32>
        %mul3A_252 = arith.mulf %gather3A_243, %sub3A_251 : vector<16xf32>
        %add3A_253 = arith.addf %add3A_248, %mul3A_252 : vector<16xf32>
        %broadcast_in_dim3A_254 = arith.constant 11 : i32
        %broadcast_in_dim3A_255 = vector.broadcast %broadcast_in_dim3A_254 : i32 to vector<16xi32>
        %gather3A_256 = tpu.vector_load_idx %arg13[%add3A_56, %broadcast_in_dim3A_255] : memref<128x32xf32, #tpu.memory_space<vmem>>[vector<16xi32>, vector<16xi32>], vector<16xf32>,
        %gather3A_257 = tpu.vector_load_idx %arg14[%add3A_56, %broadcast_in_dim3A_255] : memref<128x32xf32, #tpu.memory_space<vmem>>[vector<16xi32>, vector<16xi32>], vector<16xf32>,
        %gather3A_258 = tpu.vector_load_idx %arg15[%add3A_56, %broadcast_in_dim3A_255] : memref<128x32xf32, #tpu.memory_space<vmem>>[vector<16xi32>, vector<16xi32>], vector<16xf32>,
        %gather3A_259 = tpu.vector_load_idx %arg16[%add3A_56, %broadcast_in_dim3A_255] : memref<128x32xf32, #tpu.memory_space<vmem>>[vector<16xi32>, vector<16xi32>], vector<16xf32>,
        %gather3A_260 = tpu.vector_load_idx %arg17[%add3A_56, %broadcast_in_dim3A_255] : memref<128x32xf32, #tpu.memory_space<vmem>>[vector<16xi32>, vector<16xi32>], vector<16xf32>,
        %gather3A_261 = tpu.vector_load_idx %arg18[%add3A_56, %broadcast_in_dim3A_255] : memref<128x32xf32, #tpu.memory_space<vmem>>[vector<16xi32>, vector<16xi32>], vector<16xf32>,
        %mul3A_262 = arith.mulf %gather3A_256, %gather3A_258 : vector<16xf32>
        %mul3A_263 = arith.mulf %gather3A_257, %gather3A_259 : vector<16xf32>
        %add3A_264 = arith.addf %mul3A_262, %mul3A_263 : vector<16xf32>
        %mul3A_265 = arith.mulf %gather3A_260, %add3A_264 : vector<16xf32>
        %add3A_266 = arith.addf %add3A_253, %mul3A_265 : vector<16xf32>
        %mul3A_267 = arith.mulf %gather3A_256, %gather3A_259 : vector<16xf32>
        %mul3A_268 = arith.mulf %gather3A_257, %gather3A_258 : vector<16xf32>
        %sub3A_269 = arith.subf %mul3A_267, %mul3A_268 : vector<16xf32>
        %mul3A_270 = arith.mulf %gather3A_261, %sub3A_269 : vector<16xf32>
        %add3A_271 = arith.addf %add3A_266, %mul3A_270 : vector<16xf32>
        %broadcast_in_dim3A_272 = arith.constant 12 : i32
        %broadcast_in_dim3A_273 = vector.broadcast %broadcast_in_dim3A_272 : i32 to vector<16xi32>
        %gather3A_274 = tpu.vector_load_idx %arg13[%add3A_56, %broadcast_in_dim3A_273] : memref<128x32xf32, #tpu.memory_space<vmem>>[vector<16xi32>, vector<16xi32>], vector<16xf32>,
        %gather3A_275 = tpu.vector_load_idx %arg14[%add3A_56, %broadcast_in_dim3A_273] : memref<128x32xf32, #tpu.memory_space<vmem>>[vector<16xi32>, vector<16xi32>], vector<16xf32>,
        %gather3A_276 = tpu.vector_load_idx %arg15[%add3A_56, %broadcast_in_dim3A_273] : memref<128x32xf32, #tpu.memory_space<vmem>>[vector<16xi32>, vector<16xi32>], vector<16xf32>,
        %gather3A_277 = tpu.vector_load_idx %arg16[%add3A_56, %broadcast_in_dim3A_273] : memref<128x32xf32, #tpu.memory_space<vmem>>[vector<16xi32>, vector<16xi32>], vector<16xf32>,
        %gather3A_278 = tpu.vector_load_idx %arg17[%add3A_56, %broadcast_in_dim3A_273] : memref<128x32xf32, #tpu.memory_space<vmem>>[vector<16xi32>, vector<16xi32>], vector<16xf32>,
        %gather3A_279 = tpu.vector_load_idx %arg18[%add3A_56, %broadcast_in_dim3A_273] : memref<128x32xf32, #tpu.memory_space<vmem>>[vector<16xi32>, vector<16xi32>], vector<16xf32>,
        %mul3A_280 = arith.mulf %gather3A_274, %gather3A_276 : vector<16xf32>
        %mul3A_281 = arith.mulf %gather3A_275, %gather3A_277 : vector<16xf32>
        %add3A_282 = arith.addf %mul3A_280, %mul3A_281 : vector<16xf32>
        %mul3A_283 = arith.mulf %gather3A_278, %add3A_282 : vector<16xf32>
        %add3A_284 = arith.addf %add3A_271, %mul3A_283 : vector<16xf32>
        %mul3A_285 = arith.mulf %gather3A_274, %gather3A_277 : vector<16xf32>
        %mul3A_286 = arith.mulf %gather3A_275, %gather3A_276 : vector<16xf32>
        %sub3A_287 = arith.subf %mul3A_285, %mul3A_286 : vector<16xf32>
        %mul3A_288 = arith.mulf %gather3A_279, %sub3A_287 : vector<16xf32>
        %add3A_289 = arith.addf %add3A_284, %mul3A_288 : vector<16xf32>
        %broadcast_in_dim3A_290 = arith.constant 13 : i32
        %broadcast_in_dim3A_291 = vector.broadcast %broadcast_in_dim3A_290 : i32 to vector<16xi32>
        %gather3A_292 = tpu.vector_load_idx %arg13[%add3A_56, %broadcast_in_dim3A_291] : memref<128x32xf32, #tpu.memory_space<vmem>>[vector<16xi32>, vector<16xi32>], vector<16xf32>,
        %gather3A_293 = tpu.vector_load_idx %arg14[%add3A_56, %broadcast_in_dim3A_291] : memref<128x32xf32, #tpu.memory_space<vmem>>[vector<16xi32>, vector<16xi32>], vector<16xf32>,
        %gather3A_294 = tpu.vector_load_idx %arg15[%add3A_56, %broadcast_in_dim3A_291] : memref<128x32xf32, #tpu.memory_space<vmem>>[vector<16xi32>, vector<16xi32>], vector<16xf32>,
        %gather3A_295 = tpu.vector_load_idx %arg16[%add3A_56, %broadcast_in_dim3A_291] : memref<128x32xf32, #tpu.memory_space<vmem>>[vector<16xi32>, vector<16xi32>], vector<16xf32>,
        %gather3A_296 = tpu.vector_load_idx %arg17[%add3A_56, %broadcast_in_dim3A_291] : memref<128x32xf32, #tpu.memory_space<vmem>>[vector<16xi32>, vector<16xi32>], vector<16xf32>,
        %gather3A_297 = tpu.vector_load_idx %arg18[%add3A_56, %broadcast_in_dim3A_291] : memref<128x32xf32, #tpu.memory_space<vmem>>[vector<16xi32>, vector<16xi32>], vector<16xf32>,
        %mul3A_298 = arith.mulf %gather3A_292, %gather3A_294 : vector<16xf32>
        %mul3A_299 = arith.mulf %gather3A_293, %gather3A_295 : vector<16xf32>
        %add3A_300 = arith.addf %mul3A_298, %mul3A_299 : vector<16xf32>
        %mul3A_301 = arith.mulf %gather3A_296, %add3A_300 : vector<16xf32>
        %add3A_302 = arith.addf %add3A_289, %mul3A_301 : vector<16xf32>
        %mul3A_303 = arith.mulf %gather3A_292, %gather3A_295 : vector<16xf32>
        %mul3A_304 = arith.mulf %gather3A_293, %gather3A_294 : vector<16xf32>
        %sub3A_305 = arith.subf %mul3A_303, %mul3A_304 : vector<16xf32>
        %mul3A_306 = arith.mulf %gather3A_297, %sub3A_305 : vector<16xf32>
        %add3A_307 = arith.addf %add3A_302, %mul3A_306 : vector<16xf32>
        %broadcast_in_dim3A_308 = arith.constant 14 : i32
        %broadcast_in_dim3A_309 = vector.broadcast %broadcast_in_dim3A_308 : i32 to vector<16xi32>
        %gather3A_310 = tpu.vector_load_idx %arg13[%add3A_56, %broadcast_in_dim3A_309] : memref<128x32xf32, #tpu.memory_space<vmem>>[vector<16xi32>, vector<16xi32>], vector<16xf32>,
        %gather3A_311 = tpu.vector_load_idx %arg14[%add3A_56, %broadcast_in_dim3A_309] : memref<128x32xf32, #tpu.memory_space<vmem>>[vector<16xi32>, vector<16xi32>], vector<16xf32>,
        %gather3A_312 = tpu.vector_load_idx %arg15[%add3A_56, %broadcast_in_dim3A_309] : memref<128x32xf32, #tpu.memory_space<vmem>>[vector<16xi32>, vector<16xi32>], vector<16xf32>,
        %gather3A_313 = tpu.vector_load_idx %arg16[%add3A_56, %broadcast_in_dim3A_309] : memref<128x32xf32, #tpu.memory_space<vmem>>[vector<16xi32>, vector<16xi32>], vector<16xf32>,
        %gather3A_314 = tpu.vector_load_idx %arg17[%add3A_56, %broadcast_in_dim3A_309] : memref<128x32xf32, #tpu.memory_space<vmem>>[vector<16xi32>, vector<16xi32>], vector<16xf32>,
        %gather3A_315 = tpu.vector_load_idx %arg18[%add3A_56, %broadcast_in_dim3A_309] : memref<128x32xf32, #tpu.memory_space<vmem>>[vector<16xi32>, vector<16xi32>], vector<16xf32>,
        %mul3A_316 = arith.mulf %gather3A_310, %gather3A_312 : vector<16xf32>
        %mul3A_317 = arith.mulf %gather3A_311, %gather3A_313 : vector<16xf32>
        %add3A_318 = arith.addf %mul3A_316, %mul3A_317 : vector<16xf32>
        %mul3A_319 = arith.mulf %gather3A_314, %add3A_318 : vector<16xf32>
        %add3A_320 = arith.addf %add3A_307, %mul3A_319 : vector<16xf32>
        %mul3A_321 = arith.mulf %gather3A_310, %gather3A_313 : vector<16xf32>
        %mul3A_322 = arith.mulf %gather3A_311, %gather3A_312 : vector<16xf32>
        %sub3A_323 = arith.subf %mul3A_321, %mul3A_322 : vector<16xf32>
        %mul3A_324 = arith.mulf %gather3A_315, %sub3A_323 : vector<16xf32>
        %add3A_325 = arith.addf %add3A_320, %mul3A_324 : vector<16xf32>
        %broadcast_in_dim3A_326 = arith.constant 15 : i32
        %broadcast_in_dim3A_327 = vector.broadcast %broadcast_in_dim3A_326 : i32 to vector<16xi32>
        %gather3A_328 = tpu.vector_load_idx %arg13[%add3A_56, %broadcast_in_dim3A_327] : memref<128x32xf32, #tpu.memory_space<vmem>>[vector<16xi32>, vector<16xi32>], vector<16xf32>,
        %gather3A_329 = tpu.vector_load_idx %arg14[%add3A_56, %broadcast_in_dim3A_327] : memref<128x32xf32, #tpu.memory_space<vmem>>[vector<16xi32>, vector<16xi32>], vector<16xf32>,
        %gather3A_330 = tpu.vector_load_idx %arg15[%add3A_56, %broadcast_in_dim3A_327] : memref<128x32xf32, #tpu.memory_space<vmem>>[vector<16xi32>, vector<16xi32>], vector<16xf32>,
        %gather3A_331 = tpu.vector_load_idx %arg16[%add3A_56, %broadcast_in_dim3A_327] : memref<128x32xf32, #tpu.memory_space<vmem>>[vector<16xi32>, vector<16xi32>], vector<16xf32>,
        %gather3A_332 = tpu.vector_load_idx %arg17[%add3A_56, %broadcast_in_dim3A_327] : memref<128x32xf32, #tpu.memory_space<vmem>>[vector<16xi32>, vector<16xi32>], vector<16xf32>,
        %gather3A_333 = tpu.vector_load_idx %arg18[%add3A_56, %broadcast_in_dim3A_327] : memref<128x32xf32, #tpu.memory_space<vmem>>[vector<16xi32>, vector<16xi32>], vector<16xf32>,
        %mul3A_334 = arith.mulf %gather3A_328, %gather3A_330 : vector<16xf32>
        %mul3A_335 = arith.mulf %gather3A_329, %gather3A_331 : vector<16xf32>
        %add3A_336 = arith.addf %mul3A_334, %mul3A_335 : vector<16xf32>
        %mul3A_337 = arith.mulf %gather3A_332, %add3A_336 : vector<16xf32>
        %add3A_338 = arith.addf %add3A_325, %mul3A_337 : vector<16xf32>
        %mul3A_339 = arith.mulf %gather3A_328, %gather3A_331 : vector<16xf32>
        %mul3A_340 = arith.mulf %gather3A_329, %gather3A_330 : vector<16xf32>
        %sub3A_341 = arith.subf %mul3A_339, %mul3A_340 : vector<16xf32>
        %mul3A_342 = arith.mulf %gather3A_333, %sub3A_341 : vector<16xf32>
        %add3A_343 = arith.addf %add3A_338, %mul3A_342 : vector<16xf32>
        %broadcast_in_dim3A_344 = arith.constant 16 : i32
        %broadcast_in_dim3A_345 = vector.broadcast %broadcast_in_dim3A_344 : i32 to vector<16xi32>
        %gather3A_346 = tpu.vector_load_idx %arg13[%add3A_56, %broadcast_in_dim3A_345] : memref<128x32xf32, #tpu.memory_space<vmem>>[vector<16xi32>, vector<16xi32>], vector<16xf32>,
        %gather3A_347 = tpu.vector_load_idx %arg14[%add3A_56, %broadcast_in_dim3A_345] : memref<128x32xf32, #tpu.memory_space<vmem>>[vector<16xi32>, vector<16xi32>], vector<16xf32>,
        %gather3A_348 = tpu.vector_load_idx %arg15[%add3A_56, %broadcast_in_dim3A_345] : memref<128x32xf32, #tpu.memory_space<vmem>>[vector<16xi32>, vector<16xi32>], vector<16xf32>,
        %gather3A_349 = tpu.vector_load_idx %arg16[%add3A_56, %broadcast_in_dim3A_345] : memref<128x32xf32, #tpu.memory_space<vmem>>[vector<16xi32>, vector<16xi32>], vector<16xf32>,
        %gather3A_350 = tpu.vector_load_idx %arg17[%add3A_56, %broadcast_in_dim3A_345] : memref<128x32xf32, #tpu.memory_space<vmem>>[vector<16xi32>, vector<16xi32>], vector<16xf32>,
        %gather3A_351 = tpu.vector_load_idx %arg18[%add3A_56, %broadcast_in_dim3A_345] : memref<128x32xf32, #tpu.memory_space<vmem>>[vector<16xi32>, vector<16xi32>], vector<16xf32>,
        %mul3A_352 = arith.mulf %gather3A_346, %gather3A_348 : vector<16xf32>
        %mul3A_353 = arith.mulf %gather3A_347, %gather3A_349 : vector<16xf32>
        %add3A_354 = arith.addf %mul3A_352, %mul3A_353 : vector<16xf32>
        %mul3A_355 = arith.mulf %gather3A_350, %add3A_354 : vector<16xf32>
        %add3A_356 = arith.addf %add3A_343, %mul3A_355 : vector<16xf32>
        %mul3A_357 = arith.mulf %gather3A_346, %gather3A_349 : vector<16xf32>
        %mul3A_358 = arith.mulf %gather3A_347, %gather3A_348 : vector<16xf32>
        %sub3A_359 = arith.subf %mul3A_357, %mul3A_358 : vector<16xf32>
        %mul3A_360 = arith.mulf %gather3A_351, %sub3A_359 : vector<16xf32>
        %add3A_361 = arith.addf %add3A_356, %mul3A_360 : vector<16xf32>
        %broadcast_in_dim3A_362 = arith.constant 17 : i32
        %broadcast_in_dim3A_363 = vector.broadcast %broadcast_in_dim3A_362 : i32 to vector<16xi32>
        %gather3A_364 = tpu.vector_load_idx %arg13[%add3A_56, %broadcast_in_dim3A_363] : memref<128x32xf32, #tpu.memory_space<vmem>>[vector<16xi32>, vector<16xi32>], vector<16xf32>,
        %gather3A_365 = tpu.vector_load_idx %arg14[%add3A_56, %broadcast_in_dim3A_363] : memref<128x32xf32, #tpu.memory_space<vmem>>[vector<16xi32>, vector<16xi32>], vector<16xf32>,
        %gather3A_366 = tpu.vector_load_idx %arg15[%add3A_56, %broadcast_in_dim3A_363] : memref<128x32xf32, #tpu.memory_space<vmem>>[vector<16xi32>, vector<16xi32>], vector<16xf32>,
        %gather3A_367 = tpu.vector_load_idx %arg16[%add3A_56, %broadcast_in_dim3A_363] : memref<128x32xf32, #tpu.memory_space<vmem>>[vector<16xi32>, vector<16xi32>], vector<16xf32>,
        %gather3A_368 = tpu.vector_load_idx %arg17[%add3A_56, %broadcast_in_dim3A_363] : memref<128x32xf32, #tpu.memory_space<vmem>>[vector<16xi32>, vector<16xi32>], vector<16xf32>,
        %gather3A_369 = tpu.vector_load_idx %arg18[%add3A_56, %broadcast_in_dim3A_363] : memref<128x32xf32, #tpu.memory_space<vmem>>[vector<16xi32>, vector<16xi32>], vector<16xf32>,
        %mul3A_370 = arith.mulf %gather3A_364, %gather3A_366 : vector<16xf32>
        %mul3A_371 = arith.mulf %gather3A_365, %gather3A_367 : vector<16xf32>
        %add3A_372 = arith.addf %mul3A_370, %mul3A_371 : vector<16xf32>
        %mul3A_373 = arith.mulf %gather3A_368, %add3A_372 : vector<16xf32>
        %add3A_374 = arith.addf %add3A_361, %mul3A_373 : vector<16xf32>
        %mul3A_375 = arith.mulf %gather3A_364, %gather3A_367 : vector<16xf32>
        %mul3A_376 = arith.mulf %gather3A_365, %gather3A_366 : vector<16xf32>
        %sub3A_377 = arith.subf %mul3A_375, %mul3A_376 : vector<16xf32>
        %mul3A_378 = arith.mulf %gather3A_369, %sub3A_377 : vector<16xf32>
        %add3A_379 = arith.addf %add3A_374, %mul3A_378 : vector<16xf32>
        %broadcast_in_dim3A_380 = arith.constant 18 : i32
        %broadcast_in_dim3A_381 = vector.broadcast %broadcast_in_dim3A_380 : i32 to vector<16xi32>
        %gather3A_382 = tpu.vector_load_idx %arg13[%add3A_56, %broadcast_in_dim3A_381] : memref<128x32xf32, #tpu.memory_space<vmem>>[vector<16xi32>, vector<16xi32>], vector<16xf32>,
        %gather3A_383 = tpu.vector_load_idx %arg14[%add3A_56, %broadcast_in_dim3A_381] : memref<128x32xf32, #tpu.memory_space<vmem>>[vector<16xi32>, vector<16xi32>], vector<16xf32>,
        %gather3A_384 = tpu.vector_load_idx %arg15[%add3A_56, %broadcast_in_dim3A_381] : memref<128x32xf32, #tpu.memory_space<vmem>>[vector<16xi32>, vector<16xi32>], vector<16xf32>,
        %gather3A_385 = tpu.vector_load_idx %arg16[%add3A_56, %broadcast_in_dim3A_381] : memref<128x32xf32, #tpu.memory_space<vmem>>[vector<16xi32>, vector<16xi32>], vector<16xf32>,
        %gather3A_386 = tpu.vector_load_idx %arg17[%add3A_56, %broadcast_in_dim3A_381] : memref<128x32xf32, #tpu.memory_space<vmem>>[vector<16xi32>, vector<16xi32>], vector<16xf32>,
        %gather3A_387 = tpu.vector_load_idx %arg18[%add3A_56, %broadcast_in_dim3A_381] : memref<128x32xf32, #tpu.memory_space<vmem>>[vector<16xi32>, vector<16xi32>], vector<16xf32>,
        %mul3A_388 = arith.mulf %gather3A_382, %gather3A_384 : vector<16xf32>
        %mul3A_389 = arith.mulf %gather3A_383, %gather3A_385 : vector<16xf32>
        %add3A_390 = arith.addf %mul3A_388, %mul3A_389 : vector<16xf32>
        %mul3A_391 = arith.mulf %gather3A_386, %add3A_390 : vector<16xf32>
        %add3A_392 = arith.addf %add3A_379, %mul3A_391 : vector<16xf32>
        %mul3A_393 = arith.mulf %gather3A_382, %gather3A_385 : vector<16xf32>
        %mul3A_394 = arith.mulf %gather3A_383, %gather3A_384 : vector<16xf32>
        %sub3A_395 = arith.subf %mul3A_393, %mul3A_394 : vector<16xf32>
        %mul3A_396 = arith.mulf %gather3A_387, %sub3A_395 : vector<16xf32>
        %add3A_397 = arith.addf %add3A_392, %mul3A_396 : vector<16xf32>
        %broadcast_in_dim3A_398 = arith.constant 19 : i32
        %broadcast_in_dim3A_399 = vector.broadcast %broadcast_in_dim3A_398 : i32 to vector<16xi32>
        %gather3A_400 = tpu.vector_load_idx %arg13[%add3A_56, %broadcast_in_dim3A_399] : memref<128x32xf32, #tpu.memory_space<vmem>>[vector<16xi32>, vector<16xi32>], vector<16xf32>,
        %gather3A_401 = tpu.vector_load_idx %arg14[%add3A_56, %broadcast_in_dim3A_399] : memref<128x32xf32, #tpu.memory_space<vmem>>[vector<16xi32>, vector<16xi32>], vector<16xf32>,
        %gather3A_402 = tpu.vector_load_idx %arg15[%add3A_56, %broadcast_in_dim3A_399] : memref<128x32xf32, #tpu.memory_space<vmem>>[vector<16xi32>, vector<16xi32>], vector<16xf32>,
        %gather3A_403 = tpu.vector_load_idx %arg16[%add3A_56, %broadcast_in_dim3A_399] : memref<128x32xf32, #tpu.memory_space<vmem>>[vector<16xi32>, vector<16xi32>], vector<16xf32>,
        %gather3A_404 = tpu.vector_load_idx %arg17[%add3A_56, %broadcast_in_dim3A_399] : memref<128x32xf32, #tpu.memory_space<vmem>>[vector<16xi32>, vector<16xi32>], vector<16xf32>,
        %gather3A_405 = tpu.vector_load_idx %arg18[%add3A_56, %broadcast_in_dim3A_399] : memref<128x32xf32, #tpu.memory_space<vmem>>[vector<16xi32>, vector<16xi32>], vector<16xf32>,
        %mul3A_406 = arith.mulf %gather3A_400, %gather3A_402 : vector<16xf32>
        %mul3A_407 = arith.mulf %gather3A_401, %gather3A_403 : vector<16xf32>
        %add3A_408 = arith.addf %mul3A_406, %mul3A_407 : vector<16xf32>
        %mul3A_409 = arith.mulf %gather3A_404, %add3A_408 : vector<16xf32>
        %add3A_410 = arith.addf %add3A_397, %mul3A_409 : vector<16xf32>
        %mul3A_411 = arith.mulf %gather3A_400, %gather3A_403 : vector<16xf32>
        %mul3A_412 = arith.mulf %gather3A_401, %gather3A_402 : vector<16xf32>
        %sub3A_413 = arith.subf %mul3A_411, %mul3A_412 : vector<16xf32>
        %mul3A_414 = arith.mulf %gather3A_405, %sub3A_413 : vector<16xf32>
        %add3A_415 = arith.addf %add3A_410, %mul3A_414 : vector<16xf32>
        %broadcast_in_dim3A_416 = arith.constant 20 : i32
        %broadcast_in_dim3A_417 = vector.broadcast %broadcast_in_dim3A_416 : i32 to vector<16xi32>
        %gather3A_418 = tpu.vector_load_idx %arg13[%add3A_56, %broadcast_in_dim3A_417] : memref<128x32xf32, #tpu.memory_space<vmem>>[vector<16xi32>, vector<16xi32>], vector<16xf32>,
        %gather3A_419 = tpu.vector_load_idx %arg14[%add3A_56, %broadcast_in_dim3A_417] : memref<128x32xf32, #tpu.memory_space<vmem>>[vector<16xi32>, vector<16xi32>], vector<16xf32>,
        %gather3A_420 = tpu.vector_load_idx %arg15[%add3A_56, %broadcast_in_dim3A_417] : memref<128x32xf32, #tpu.memory_space<vmem>>[vector<16xi32>, vector<16xi32>], vector<16xf32>,
        %gather3A_421 = tpu.vector_load_idx %arg16[%add3A_56, %broadcast_in_dim3A_417] : memref<128x32xf32, #tpu.memory_space<vmem>>[vector<16xi32>, vector<16xi32>], vector<16xf32>,
        %gather3A_422 = tpu.vector_load_idx %arg17[%add3A_56, %broadcast_in_dim3A_417] : memref<128x32xf32, #tpu.memory_space<vmem>>[vector<16xi32>, vector<16xi32>], vector<16xf32>,
        %gather3A_423 = tpu.vector_load_idx %arg18[%add3A_56, %broadcast_in_dim3A_417] : memref<128x32xf32, #tpu.memory_space<vmem>>[vector<16xi32>, vector<16xi32>], vector<16xf32>,
        %mul3A_424 = arith.mulf %gather3A_418, %gather3A_420 : vector<16xf32>
        %mul3A_425 = arith.mulf %gather3A_419, %gather3A_421 : vector<16xf32>
        %add3A_426 = arith.addf %mul3A_424, %mul3A_425 : vector<16xf32>
        %mul3A_427 = arith.mulf %gather3A_422, %add3A_426 : vector<16xf32>
        %add3A_428 = arith.addf %add3A_415, %mul3A_427 : vector<16xf32>
        %mul3A_429 = arith.mulf %gather3A_418, %gather3A_421 : vector<16xf32>
        %mul3A_430 = arith.mulf %gather3A_419, %gather3A_420 : vector<16xf32>
        %sub3A_431 = arith.subf %mul3A_429, %mul3A_430 : vector<16xf32>
        %mul3A_432 = arith.mulf %gather3A_423, %sub3A_431 : vector<16xf32>
        %add3A_433 = arith.addf %add3A_428, %mul3A_432 : vector<16xf32>
        %broadcast_in_dim3A_434 = arith.constant 21 : i32
        %broadcast_in_dim3A_435 = vector.broadcast %broadcast_in_dim3A_434 : i32 to vector<16xi32>
        %gather3A_436 = tpu.vector_load_idx %arg13[%add3A_56, %broadcast_in_dim3A_435] : memref<128x32xf32, #tpu.memory_space<vmem>>[vector<16xi32>, vector<16xi32>], vector<16xf32>,
        %gather3A_437 = tpu.vector_load_idx %arg14[%add3A_56, %broadcast_in_dim3A_435] : memref<128x32xf32, #tpu.memory_space<vmem>>[vector<16xi32>, vector<16xi32>], vector<16xf32>,
        %gather3A_438 = tpu.vector_load_idx %arg15[%add3A_56, %broadcast_in_dim3A_435] : memref<128x32xf32, #tpu.memory_space<vmem>>[vector<16xi32>, vector<16xi32>], vector<16xf32>,
        %gather3A_439 = tpu.vector_load_idx %arg16[%add3A_56, %broadcast_in_dim3A_435] : memref<128x32xf32, #tpu.memory_space<vmem>>[vector<16xi32>, vector<16xi32>], vector<16xf32>,
        %gather3A_440 = tpu.vector_load_idx %arg17[%add3A_56, %broadcast_in_dim3A_435] : memref<128x32xf32, #tpu.memory_space<vmem>>[vector<16xi32>, vector<16xi32>], vector<16xf32>,
        %gather3A_441 = tpu.vector_load_idx %arg18[%add3A_56, %broadcast_in_dim3A_435] : memref<128x32xf32, #tpu.memory_space<vmem>>[vector<16xi32>, vector<16xi32>], vector<16xf32>,
        %mul3A_442 = arith.mulf %gather3A_436, %gather3A_438 : vector<16xf32>
        %mul3A_443 = arith.mulf %gather3A_437, %gather3A_439 : vector<16xf32>
        %add3A_444 = arith.addf %mul3A_442, %mul3A_443 : vector<16xf32>
        %mul3A_445 = arith.mulf %gather3A_440, %add3A_444 : vector<16xf32>
        %add3A_446 = arith.addf %add3A_433, %mul3A_445 : vector<16xf32>
        %mul3A_447 = arith.mulf %gather3A_436, %gather3A_439 : vector<16xf32>
        %mul3A_448 = arith.mulf %gather3A_437, %gather3A_438 : vector<16xf32>
        %sub3A_449 = arith.subf %mul3A_447, %mul3A_448 : vector<16xf32>
        %mul3A_450 = arith.mulf %gather3A_441, %sub3A_449 : vector<16xf32>
        %add3A_451 = arith.addf %add3A_446, %mul3A_450 : vector<16xf32>
        %broadcast_in_dim3A_452 = arith.constant 22 : i32
        %broadcast_in_dim3A_453 = vector.broadcast %broadcast_in_dim3A_452 : i32 to vector<16xi32>
        %gather3A_454 = tpu.vector_load_idx %arg13[%add3A_56, %broadcast_in_dim3A_453] : memref<128x32xf32, #tpu.memory_space<vmem>>[vector<16xi32>, vector<16xi32>], vector<16xf32>,
        %gather3A_455 = tpu.vector_load_idx %arg14[%add3A_56, %broadcast_in_dim3A_453] : memref<128x32xf32, #tpu.memory_space<vmem>>[vector<16xi32>, vector<16xi32>], vector<16xf32>,
        %gather3A_456 = tpu.vector_load_idx %arg15[%add3A_56, %broadcast_in_dim3A_453] : memref<128x32xf32, #tpu.memory_space<vmem>>[vector<16xi32>, vector<16xi32>], vector<16xf32>,
        %gather3A_457 = tpu.vector_load_idx %arg16[%add3A_56, %broadcast_in_dim3A_453] : memref<128x32xf32, #tpu.memory_space<vmem>>[vector<16xi32>, vector<16xi32>], vector<16xf32>,
        %gather3A_458 = tpu.vector_load_idx %arg17[%add3A_56, %broadcast_in_dim3A_453] : memref<128x32xf32, #tpu.memory_space<vmem>>[vector<16xi32>, vector<16xi32>], vector<16xf32>,
        %gather3A_459 = tpu.vector_load_idx %arg18[%add3A_56, %broadcast_in_dim3A_453] : memref<128x32xf32, #tpu.memory_space<vmem>>[vector<16xi32>, vector<16xi32>], vector<16xf32>,
        %mul3A_460 = arith.mulf %gather3A_454, %gather3A_456 : vector<16xf32>
        %mul3A_461 = arith.mulf %gather3A_455, %gather3A_457 : vector<16xf32>
        %add3A_462 = arith.addf %mul3A_460, %mul3A_461 : vector<16xf32>
        %mul3A_463 = arith.mulf %gather3A_458, %add3A_462 : vector<16xf32>
        %add3A_464 = arith.addf %add3A_451, %mul3A_463 : vector<16xf32>
        %mul3A_465 = arith.mulf %gather3A_454, %gather3A_457 : vector<16xf32>
        %mul3A_466 = arith.mulf %gather3A_455, %gather3A_456 : vector<16xf32>
        %sub3A_467 = arith.subf %mul3A_465, %mul3A_466 : vector<16xf32>
        %mul3A_468 = arith.mulf %gather3A_459, %sub3A_467 : vector<16xf32>
        %add3A_469 = arith.addf %add3A_464, %mul3A_468 : vector<16xf32>
        %broadcast_in_dim3A_470 = arith.constant 23 : i32
        %broadcast_in_dim3A_471 = vector.broadcast %broadcast_in_dim3A_470 : i32 to vector<16xi32>
        %gather3A_472 = tpu.vector_load_idx %arg13[%add3A_56, %broadcast_in_dim3A_471] : memref<128x32xf32, #tpu.memory_space<vmem>>[vector<16xi32>, vector<16xi32>], vector<16xf32>,
        %gather3A_473 = tpu.vector_load_idx %arg14[%add3A_56, %broadcast_in_dim3A_471] : memref<128x32xf32, #tpu.memory_space<vmem>>[vector<16xi32>, vector<16xi32>], vector<16xf32>,
        %gather3A_474 = tpu.vector_load_idx %arg15[%add3A_56, %broadcast_in_dim3A_471] : memref<128x32xf32, #tpu.memory_space<vmem>>[vector<16xi32>, vector<16xi32>], vector<16xf32>,
        %gather3A_475 = tpu.vector_load_idx %arg16[%add3A_56, %broadcast_in_dim3A_471] : memref<128x32xf32, #tpu.memory_space<vmem>>[vector<16xi32>, vector<16xi32>], vector<16xf32>,
        %gather3A_476 = tpu.vector_load_idx %arg17[%add3A_56, %broadcast_in_dim3A_471] : memref<128x32xf32, #tpu.memory_space<vmem>>[vector<16xi32>, vector<16xi32>], vector<16xf32>,
        %gather3A_477 = tpu.vector_load_idx %arg18[%add3A_56, %broadcast_in_dim3A_471] : memref<128x32xf32, #tpu.memory_space<vmem>>[vector<16xi32>, vector<16xi32>], vector<16xf32>,
        %mul3A_478 = arith.mulf %gather3A_472, %gather3A_474 : vector<16xf32>
        %mul3A_479 = arith.mulf %gather3A_473, %gather3A_475 : vector<16xf32>
        %add3A_480 = arith.addf %mul3A_478, %mul3A_479 : vector<16xf32>
        %mul3A_481 = arith.mulf %gather3A_476, %add3A_480 : vector<16xf32>
        %add3A_482 = arith.addf %add3A_469, %mul3A_481 : vector<16xf32>
        %mul3A_483 = arith.mulf %gather3A_472, %gather3A_475 : vector<16xf32>
        %mul3A_484 = arith.mulf %gather3A_473, %gather3A_474 : vector<16xf32>
        %sub3A_485 = arith.subf %mul3A_483, %mul3A_484 : vector<16xf32>
        %mul3A_486 = arith.mulf %gather3A_477, %sub3A_485 : vector<16xf32>
        %add3A_487 = arith.addf %add3A_482, %mul3A_486 : vector<16xf32>
        %broadcast_in_dim3A_488 = arith.constant 24 : i32
        %broadcast_in_dim3A_489 = vector.broadcast %broadcast_in_dim3A_488 : i32 to vector<16xi32>
        %gather3A_490 = tpu.vector_load_idx %arg13[%add3A_56, %broadcast_in_dim3A_489] : memref<128x32xf32, #tpu.memory_space<vmem>>[vector<16xi32>, vector<16xi32>], vector<16xf32>,
        %gather3A_491 = tpu.vector_load_idx %arg14[%add3A_56, %broadcast_in_dim3A_489] : memref<128x32xf32, #tpu.memory_space<vmem>>[vector<16xi32>, vector<16xi32>], vector<16xf32>,
        %gather3A_492 = tpu.vector_load_idx %arg15[%add3A_56, %broadcast_in_dim3A_489] : memref<128x32xf32, #tpu.memory_space<vmem>>[vector<16xi32>, vector<16xi32>], vector<16xf32>,
        %gather3A_493 = tpu.vector_load_idx %arg16[%add3A_56, %broadcast_in_dim3A_489] : memref<128x32xf32, #tpu.memory_space<vmem>>[vector<16xi32>, vector<16xi32>], vector<16xf32>,
        %gather3A_494 = tpu.vector_load_idx %arg17[%add3A_56, %broadcast_in_dim3A_489] : memref<128x32xf32, #tpu.memory_space<vmem>>[vector<16xi32>, vector<16xi32>], vector<16xf32>,
        %gather3A_495 = tpu.vector_load_idx %arg18[%add3A_56, %broadcast_in_dim3A_489] : memref<128x32xf32, #tpu.memory_space<vmem>>[vector<16xi32>, vector<16xi32>], vector<16xf32>,
        %mul3A_496 = arith.mulf %gather3A_490, %gather3A_492 : vector<16xf32>
        %mul3A_497 = arith.mulf %gather3A_491, %gather3A_493 : vector<16xf32>
        %add3A_498 = arith.addf %mul3A_496, %mul3A_497 : vector<16xf32>
        %mul3A_499 = arith.mulf %gather3A_494, %add3A_498 : vector<16xf32>
        %add3A_500 = arith.addf %add3A_487, %mul3A_499 : vector<16xf32>
        %mul3A_501 = arith.mulf %gather3A_490, %gather3A_493 : vector<16xf32>
        %mul3A_502 = arith.mulf %gather3A_491, %gather3A_492 : vector<16xf32>
        %sub3A_503 = arith.subf %mul3A_501, %mul3A_502 : vector<16xf32>
        %mul3A_504 = arith.mulf %gather3A_495, %sub3A_503 : vector<16xf32>
        %add3A_505 = arith.addf %add3A_500, %mul3A_504 : vector<16xf32>
        %broadcast_in_dim3A_506 = arith.constant 25 : i32
        %broadcast_in_dim3A_507 = vector.broadcast %broadcast_in_dim3A_506 : i32 to vector<16xi32>
        %gather3A_508 = tpu.vector_load_idx %arg13[%add3A_56, %broadcast_in_dim3A_507] : memref<128x32xf32, #tpu.memory_space<vmem>>[vector<16xi32>, vector<16xi32>], vector<16xf32>,
        %gather3A_509 = tpu.vector_load_idx %arg14[%add3A_56, %broadcast_in_dim3A_507] : memref<128x32xf32, #tpu.memory_space<vmem>>[vector<16xi32>, vector<16xi32>], vector<16xf32>,
        %gather3A_510 = tpu.vector_load_idx %arg15[%add3A_56, %broadcast_in_dim3A_507] : memref<128x32xf32, #tpu.memory_space<vmem>>[vector<16xi32>, vector<16xi32>], vector<16xf32>,
        %gather3A_511 = tpu.vector_load_idx %arg16[%add3A_56, %broadcast_in_dim3A_507] : memref<128x32xf32, #tpu.memory_space<vmem>>[vector<16xi32>, vector<16xi32>], vector<16xf32>,
        %gather3A_512 = tpu.vector_load_idx %arg17[%add3A_56, %broadcast_in_dim3A_507] : memref<128x32xf32, #tpu.memory_space<vmem>>[vector<16xi32>, vector<16xi32>], vector<16xf32>,
        %gather3A_513 = tpu.vector_load_idx %arg18[%add3A_56, %broadcast_in_dim3A_507] : memref<128x32xf32, #tpu.memory_space<vmem>>[vector<16xi32>, vector<16xi32>], vector<16xf32>,
        %mul3A_514 = arith.mulf %gather3A_508, %gather3A_510 : vector<16xf32>
        %mul3A_515 = arith.mulf %gather3A_509, %gather3A_511 : vector<16xf32>
        %add3A_516 = arith.addf %mul3A_514, %mul3A_515 : vector<16xf32>
        %mul3A_517 = arith.mulf %gather3A_512, %add3A_516 : vector<16xf32>
        %add3A_518 = arith.addf %add3A_505, %mul3A_517 : vector<16xf32>
        %mul3A_519 = arith.mulf %gather3A_508, %gather3A_511 : vector<16xf32>
        %mul3A_520 = arith.mulf %gather3A_509, %gather3A_510 : vector<16xf32>
        %sub3A_521 = arith.subf %mul3A_519, %mul3A_520 : vector<16xf32>
        %mul3A_522 = arith.mulf %gather3A_513, %sub3A_521 : vector<16xf32>
        %add3A_523 = arith.addf %add3A_518, %mul3A_522 : vector<16xf32>
        %broadcast_in_dim3A_524 = arith.constant 26 : i32
        %broadcast_in_dim3A_525 = vector.broadcast %broadcast_in_dim3A_524 : i32 to vector<16xi32>
        %gather3A_526 = tpu.vector_load_idx %arg13[%add3A_56, %broadcast_in_dim3A_525] : memref<128x32xf32, #tpu.memory_space<vmem>>[vector<16xi32>, vector<16xi32>], vector<16xf32>,
        %gather3A_527 = tpu.vector_load_idx %arg14[%add3A_56, %broadcast_in_dim3A_525] : memref<128x32xf32, #tpu.memory_space<vmem>>[vector<16xi32>, vector<16xi32>], vector<16xf32>,
        %gather3A_528 = tpu.vector_load_idx %arg15[%add3A_56, %broadcast_in_dim3A_525] : memref<128x32xf32, #tpu.memory_space<vmem>>[vector<16xi32>, vector<16xi32>], vector<16xf32>,
        %gather3A_529 = tpu.vector_load_idx %arg16[%add3A_56, %broadcast_in_dim3A_525] : memref<128x32xf32, #tpu.memory_space<vmem>>[vector<16xi32>, vector<16xi32>], vector<16xf32>,
        %gather3A_530 = tpu.vector_load_idx %arg17[%add3A_56, %broadcast_in_dim3A_525] : memref<128x32xf32, #tpu.memory_space<vmem>>[vector<16xi32>, vector<16xi32>], vector<16xf32>,
        %gather3A_531 = tpu.vector_load_idx %arg18[%add3A_56, %broadcast_in_dim3A_525] : memref<128x32xf32, #tpu.memory_space<vmem>>[vector<16xi32>, vector<16xi32>], vector<16xf32>,
        %mul3A_532 = arith.mulf %gather3A_526, %gather3A_528 : vector<16xf32>
        %mul3A_533 = arith.mulf %gather3A_527, %gather3A_529 : vector<16xf32>
        %add3A_534 = arith.addf %mul3A_532, %mul3A_533 : vector<16xf32>
        %mul3A_535 = arith.mulf %gather3A_530, %add3A_534 : vector<16xf32>
        %add3A_536 = arith.addf %add3A_523, %mul3A_535 : vector<16xf32>
        %mul3A_537 = arith.mulf %gather3A_526, %gather3A_529 : vector<16xf32>
        %mul3A_538 = arith.mulf %gather3A_527, %gather3A_528 : vector<16xf32>
        %sub3A_539 = arith.subf %mul3A_537, %mul3A_538 : vector<16xf32>
        %mul3A_540 = arith.mulf %gather3A_531, %sub3A_539 : vector<16xf32>
        %add3A_541 = arith.addf %add3A_536, %mul3A_540 : vector<16xf32>
        %broadcast_in_dim3A_542 = arith.constant 27 : i32
        %broadcast_in_dim3A_543 = vector.broadcast %broadcast_in_dim3A_542 : i32 to vector<16xi32>
        %gather3A_544 = tpu.vector_load_idx %arg13[%add3A_56, %broadcast_in_dim3A_543] : memref<128x32xf32, #tpu.memory_space<vmem>>[vector<16xi32>, vector<16xi32>], vector<16xf32>,
        %gather3A_545 = tpu.vector_load_idx %arg14[%add3A_56, %broadcast_in_dim3A_543] : memref<128x32xf32, #tpu.memory_space<vmem>>[vector<16xi32>, vector<16xi32>], vector<16xf32>,
        %gather3A_546 = tpu.vector_load_idx %arg15[%add3A_56, %broadcast_in_dim3A_543] : memref<128x32xf32, #tpu.memory_space<vmem>>[vector<16xi32>, vector<16xi32>], vector<16xf32>,
        %gather3A_547 = tpu.vector_load_idx %arg16[%add3A_56, %broadcast_in_dim3A_543] : memref<128x32xf32, #tpu.memory_space<vmem>>[vector<16xi32>, vector<16xi32>], vector<16xf32>,
        %gather3A_548 = tpu.vector_load_idx %arg17[%add3A_56, %broadcast_in_dim3A_543] : memref<128x32xf32, #tpu.memory_space<vmem>>[vector<16xi32>, vector<16xi32>], vector<16xf32>,
        %gather3A_549 = tpu.vector_load_idx %arg18[%add3A_56, %broadcast_in_dim3A_543] : memref<128x32xf32, #tpu.memory_space<vmem>>[vector<16xi32>, vector<16xi32>], vector<16xf32>,
        %mul3A_550 = arith.mulf %gather3A_544, %gather3A_546 : vector<16xf32>
        %mul3A_551 = arith.mulf %gather3A_545, %gather3A_547 : vector<16xf32>
        %add3A_552 = arith.addf %mul3A_550, %mul3A_551 : vector<16xf32>
        %mul3A_553 = arith.mulf %gather3A_548, %add3A_552 : vector<16xf32>
        %add3A_554 = arith.addf %add3A_541, %mul3A_553 : vector<16xf32>
        %mul3A_555 = arith.mulf %gather3A_544, %gather3A_547 : vector<16xf32>
        %mul3A_556 = arith.mulf %gather3A_545, %gather3A_546 : vector<16xf32>
        %sub3A_557 = arith.subf %mul3A_555, %mul3A_556 : vector<16xf32>
        %mul3A_558 = arith.mulf %gather3A_549, %sub3A_557 : vector<16xf32>
        %add3A_559 = arith.addf %add3A_554, %mul3A_558 : vector<16xf32>
        %broadcast_in_dim3A_560 = arith.constant 28 : i32
        %broadcast_in_dim3A_561 = vector.broadcast %broadcast_in_dim3A_560 : i32 to vector<16xi32>
        %gather3A_562 = tpu.vector_load_idx %arg13[%add3A_56, %broadcast_in_dim3A_561] : memref<128x32xf32, #tpu.memory_space<vmem>>[vector<16xi32>, vector<16xi32>], vector<16xf32>,
        %gather3A_563 = tpu.vector_load_idx %arg14[%add3A_56, %broadcast_in_dim3A_561] : memref<128x32xf32, #tpu.memory_space<vmem>>[vector<16xi32>, vector<16xi32>], vector<16xf32>,
        %gather3A_564 = tpu.vector_load_idx %arg15[%add3A_56, %broadcast_in_dim3A_561] : memref<128x32xf32, #tpu.memory_space<vmem>>[vector<16xi32>, vector<16xi32>], vector<16xf32>,
        %gather3A_565 = tpu.vector_load_idx %arg16[%add3A_56, %broadcast_in_dim3A_561] : memref<128x32xf32, #tpu.memory_space<vmem>>[vector<16xi32>, vector<16xi32>], vector<16xf32>,
        %gather3A_566 = tpu.vector_load_idx %arg17[%add3A_56, %broadcast_in_dim3A_561] : memref<128x32xf32, #tpu.memory_space<vmem>>[vector<16xi32>, vector<16xi32>], vector<16xf32>,
        %gather3A_567 = tpu.vector_load_idx %arg18[%add3A_56, %broadcast_in_dim3A_561] : memref<128x32xf32, #tpu.memory_space<vmem>>[vector<16xi32>, vector<16xi32>], vector<16xf32>,
        %mul3A_568 = arith.mulf %gather3A_562, %gather3A_564 : vector<16xf32>
        %mul3A_569 = arith.mulf %gather3A_563, %gather3A_565 : vector<16xf32>
        %add3A_570 = arith.addf %mul3A_568, %mul3A_569 : vector<16xf32>
        %mul3A_571 = arith.mulf %gather3A_566, %add3A_570 : vector<16xf32>
        %add3A_572 = arith.addf %add3A_559, %mul3A_571 : vector<16xf32>
        %mul3A_573 = arith.mulf %gather3A_562, %gather3A_565 : vector<16xf32>
        %mul3A_574 = arith.mulf %gather3A_563, %gather3A_564 : vector<16xf32>
        %sub3A_575 = arith.subf %mul3A_573, %mul3A_574 : vector<16xf32>
        %mul3A_576 = arith.mulf %gather3A_567, %sub3A_575 : vector<16xf32>
        %add3A_577 = arith.addf %add3A_572, %mul3A_576 : vector<16xf32>
        %broadcast_in_dim3A_578 = arith.constant 29 : i32
        %broadcast_in_dim3A_579 = vector.broadcast %broadcast_in_dim3A_578 : i32 to vector<16xi32>
        %gather3A_580 = tpu.vector_load_idx %arg13[%add3A_56, %broadcast_in_dim3A_579] : memref<128x32xf32, #tpu.memory_space<vmem>>[vector<16xi32>, vector<16xi32>], vector<16xf32>,
        %gather3A_581 = tpu.vector_load_idx %arg14[%add3A_56, %broadcast_in_dim3A_579] : memref<128x32xf32, #tpu.memory_space<vmem>>[vector<16xi32>, vector<16xi32>], vector<16xf32>,
        %gather3A_582 = tpu.vector_load_idx %arg15[%add3A_56, %broadcast_in_dim3A_579] : memref<128x32xf32, #tpu.memory_space<vmem>>[vector<16xi32>, vector<16xi32>], vector<16xf32>,
        %gather3A_583 = tpu.vector_load_idx %arg16[%add3A_56, %broadcast_in_dim3A_579] : memref<128x32xf32, #tpu.memory_space<vmem>>[vector<16xi32>, vector<16xi32>], vector<16xf32>,
        %gather3A_584 = tpu.vector_load_idx %arg17[%add3A_56, %broadcast_in_dim3A_579] : memref<128x32xf32, #tpu.memory_space<vmem>>[vector<16xi32>, vector<16xi32>], vector<16xf32>,
        %gather3A_585 = tpu.vector_load_idx %arg18[%add3A_56, %broadcast_in_dim3A_579] : memref<128x32xf32, #tpu.memory_space<vmem>>[vector<16xi32>, vector<16xi32>], vector<16xf32>,
        %mul3A_586 = arith.mulf %gather3A_580, %gather3A_582 : vector<16xf32>
        %mul3A_587 = arith.mulf %gather3A_581, %gather3A_583 : vector<16xf32>
        %add3A_588 = arith.addf %mul3A_586, %mul3A_587 : vector<16xf32>
        %mul3A_589 = arith.mulf %gather3A_584, %add3A_588 : vector<16xf32>
        %add3A_590 = arith.addf %add3A_577, %mul3A_589 : vector<16xf32>
        %mul3A_591 = arith.mulf %gather3A_580, %gather3A_583 : vector<16xf32>
        %mul3A_592 = arith.mulf %gather3A_581, %gather3A_582 : vector<16xf32>
        %sub3A_593 = arith.subf %mul3A_591, %mul3A_592 : vector<16xf32>
        %mul3A_594 = arith.mulf %gather3A_585, %sub3A_593 : vector<16xf32>
        %add3A_595 = arith.addf %add3A_590, %mul3A_594 : vector<16xf32>
        %broadcast_in_dim3A_596 = arith.constant 30 : i32
        %broadcast_in_dim3A_597 = vector.broadcast %broadcast_in_dim3A_596 : i32 to vector<16xi32>
        %gather3A_598 = tpu.vector_load_idx %arg13[%add3A_56, %broadcast_in_dim3A_597] : memref<128x32xf32, #tpu.memory_space<vmem>>[vector<16xi32>, vector<16xi32>], vector<16xf32>,
        %gather3A_599 = tpu.vector_load_idx %arg14[%add3A_56, %broadcast_in_dim3A_597] : memref<128x32xf32, #tpu.memory_space<vmem>>[vector<16xi32>, vector<16xi32>], vector<16xf32>,
        %gather3A_600 = tpu.vector_load_idx %arg15[%add3A_56, %broadcast_in_dim3A_597] : memref<128x32xf32, #tpu.memory_space<vmem>>[vector<16xi32>, vector<16xi32>], vector<16xf32>,
        %gather3A_601 = tpu.vector_load_idx %arg16[%add3A_56, %broadcast_in_dim3A_597] : memref<128x32xf32, #tpu.memory_space<vmem>>[vector<16xi32>, vector<16xi32>], vector<16xf32>,
        %gather3A_602 = tpu.vector_load_idx %arg17[%add3A_56, %broadcast_in_dim3A_597] : memref<128x32xf32, #tpu.memory_space<vmem>>[vector<16xi32>, vector<16xi32>], vector<16xf32>,
        %gather3A_603 = tpu.vector_load_idx %arg18[%add3A_56, %broadcast_in_dim3A_597] : memref<128x32xf32, #tpu.memory_space<vmem>>[vector<16xi32>, vector<16xi32>], vector<16xf32>,
        %mul3A_604 = arith.mulf %gather3A_598, %gather3A_600 : vector<16xf32>
        %mul3A_605 = arith.mulf %gather3A_599, %gather3A_601 : vector<16xf32>
        %add3A_606 = arith.addf %mul3A_604, %mul3A_605 : vector<16xf32>
        %mul3A_607 = arith.mulf %gather3A_602, %add3A_606 : vector<16xf32>
        %add3A_608 = arith.addf %add3A_595, %mul3A_607 : vector<16xf32>
        %mul3A_609 = arith.mulf %gather3A_598, %gather3A_601 : vector<16xf32>
        %mul3A_610 = arith.mulf %gather3A_599, %gather3A_600 : vector<16xf32>
        %sub3A_611 = arith.subf %mul3A_609, %mul3A_610 : vector<16xf32>
        %mul3A_612 = arith.mulf %gather3A_603, %sub3A_611 : vector<16xf32>
        %add3A_613 = arith.addf %add3A_608, %mul3A_612 : vector<16xf32>
        %broadcast_in_dim3A_614 = arith.constant 31 : i32
        %broadcast_in_dim3A_615 = vector.broadcast %broadcast_in_dim3A_614 : i32 to vector<16xi32>
        %gather3A_616 = tpu.vector_load_idx %arg13[%add3A_56, %broadcast_in_dim3A_615] : memref<128x32xf32, #tpu.memory_space<vmem>>[vector<16xi32>, vector<16xi32>], vector<16xf32>,
        %gather3A_617 = tpu.vector_load_idx %arg14[%add3A_56, %broadcast_in_dim3A_615] : memref<128x32xf32, #tpu.memory_space<vmem>>[vector<16xi32>, vector<16xi32>], vector<16xf32>,
        %gather3A_618 = tpu.vector_load_idx %arg15[%add3A_56, %broadcast_in_dim3A_615] : memref<128x32xf32, #tpu.memory_space<vmem>>[vector<16xi32>, vector<16xi32>], vector<16xf32>,
        %gather3A_619 = tpu.vector_load_idx %arg16[%add3A_56, %broadcast_in_dim3A_615] : memref<128x32xf32, #tpu.memory_space<vmem>>[vector<16xi32>, vector<16xi32>], vector<16xf32>,
        %gather3A_620 = tpu.vector_load_idx %arg17[%add3A_56, %broadcast_in_dim3A_615] : memref<128x32xf32, #tpu.memory_space<vmem>>[vector<16xi32>, vector<16xi32>], vector<16xf32>,
        %gather3A_621 = tpu.vector_load_idx %arg18[%add3A_56, %broadcast_in_dim3A_615] : memref<128x32xf32, #tpu.memory_space<vmem>>[vector<16xi32>, vector<16xi32>], vector<16xf32>,
        %mul3A_622 = arith.mulf %gather3A_616, %gather3A_618 : vector<16xf32>
        %mul3A_623 = arith.mulf %gather3A_617, %gather3A_619 : vector<16xf32>
        %add3A_624 = arith.addf %mul3A_622, %mul3A_623 : vector<16xf32>
        %mul3A_625 = arith.mulf %gather3A_620, %add3A_624 : vector<16xf32>
        %add3A_626 = arith.addf %add3A_613, %mul3A_625 : vector<16xf32>
        %mul3A_627 = arith.mulf %gather3A_616, %gather3A_619 : vector<16xf32>
        %mul3A_628 = arith.mulf %gather3A_617, %gather3A_618 : vector<16xf32>
        %sub3A_629 = arith.subf %mul3A_627, %mul3A_628 : vector<16xf32>
        %mul3A_630 = arith.mulf %gather3A_621, %sub3A_629 : vector<16xf32>
        %add3A_631 = arith.addf %add3A_626, %mul3A_630 : vector<16xf32>
        %mul3A_632 = arith.constant 16 : i32
        %mul3A_633 = arith.muli %scan3A_52, %mul3A_632 : i32
        %swap3A = arith.index_cast %mul3A_633 : i32 to index
        %swap3A_634 = tpu.vector_load %arg19[%swap3A] {strides = array<i32>} : memref<128xf32, #tpu.memory_space<vmem>>, vector<16xf32>,
        tpu.vector_store %arg19[%swap3A], %add3A_631 {strides = array<i32>} : memref<128xf32, #tpu.memory_space<vmem>>, vector<16xf32>,
      }
      %scan3A_51 = arith.constant 8 : i32
      "tpu.region"() ({
        %run_scoped3A = tpu.sem_alloc : memref<!tpu.dma_semaphore, #tpu.memory_space<semaphore_mem>>
        %dma_start3A_52 = tpu.memref_slice %arg9[%add3A_11] : memref<32768xf32, #tpu.memory_space<hbm>> -> memref<128xf32, #tpu.memory_space<hbm>>
        %dma_start3A_53 = tpu.memref_slice %arg9[%add3A_11] : memref<32768xf32, #tpu.memory_space<hbm>> -> memref<128xf32, #tpu.memory_space<hbm>>
        tpu.enqueue_dma source(%arg19 : memref<128xf32, #tpu.memory_space<vmem>>) target(%dma_start3A_53 : memref<128xf32, #tpu.memory_space<hbm>>) target_semaphore(%run_scoped3A : memref<!tpu.dma_semaphore, #tpu.memory_space<semaphore_mem>>)
        %dma_wait3A_54 = tpu.memref_slice %arg9[%add3A_11] : memref<32768xf32, #tpu.memory_space<hbm>> -> memref<128xf32, #tpu.memory_space<hbm>>
        %dma_wait3A_55 = tpu.memref_slice %arg9[%add3A_11] : memref<32768xf32, #tpu.memory_space<hbm>> -> memref<128xf32, #tpu.memory_space<hbm>>
        tpu.wait_dma2 semaphore(%run_scoped3A : memref<!tpu.dma_semaphore, #tpu.memory_space<semaphore_mem>>) src(%arg19 : memref<128xf32, #tpu.memory_space<vmem>>) dst(%dma_wait3A_55 : memref<128xf32, #tpu.memory_space<hbm>>)
        tpu.yield
      }) : () -> ()
    }
    %scan3A_7 = arith.constant 8 : i32
    return
  }
}

</mosaic_0001>

<sc_bundles>
// kernel: _sc_scores.3.cloned.1.call-start
scs
__scs_entry_jumppad:
0x0: {  	(pc) =	sbr.rel $0x88, $3  }
0x1: {  	(tag) =	ssettag $0x0;
	lr =	simm.s32 $0x1  }
0x2: {  	[smem:$0x3F9A] =	sst lr;
	_ =	strace $0xD0000000  }
0x3: {  	_ = 	snop  }
0x4: {  	_ = 	snop  }
0x5: {  	_ = 	snop  }
0x6: {  	_ = 	snop  }
0x7: {  	_ = 	snop  }
__scs_overlays_trampoline_lowered:
0x8: {  	[smem:$0x3FA9] =	sst s0  }
0x9: {  	[smem:$0x3FAA] =	sst s1  }
0xa: {  	[smem:$0x3FAB] =	sst s2  }
0xb: {  	[smem:$0x3FAC] =	sst s3  }
0xc: {  	[smem:$0x3FAD] =	sst s4  }
0xd: {  	[smem:$0x3FAE] =	sst s5  }
0xe: {  	[smem:$0x3FAF] =	sst s6  }
0xf: {  	[smem:$0x3FB0] =	sst s7  }
0x10: {  	[smem:$0x3FB1] =	sst s8  }
0x11: {  	[smem:$0x3FB2] =	sst s9;
	s0 =	simm.s32 @!p0 $0x0  }
0x12: {  	s1 =	sld [smem:$0x3F98];
	s0 =	simm.s32 @p0 $0x1  }
0x13: {  	[smem:$0x3FB3] =	sst s0;
	s0 =	simm.s32 @!p1 $0x0  }
0x14: {  	s2 =	sld [smem:$0x3F97];
	s0 =	simm.s32 @p1 $0x1  }
0x15: {  	[smem:$0x3FB4] =	sst s0;
	s0 =	simm.s32 @!p2 $0x0  }
0x16: {  	s3 =	sld [smem:$0x3FDB];
	s0 =	simm.s32 @p2 $0x1  }
0x17: {  	s4 =	simm.s32 $0x1BF5;
	[smem:$0x3FB6] =	sst s0  }
0x18: {  	s0 =	sld [smem:$0x3F99];
	_ =	swait.ge [sflag:s4], $0x0  }
0x19: {  	s7 =	sld [smem:$0x3F9A]  }
0x1a: {  	s8 =	sadd.s32 $0xFFFFE003, lr  }
0x1b: {  	s9 =	sadd.s32 $0xFFFFFEF7, lr;
	s5 =	simm.s32 $0xFFFFFFFF;
	p2 =	slt.u32 s8, $0xFFFFF086  }
0x1c: {  	p1 =	slt.u32 s9, $0xF7A;
	s5 =	simm.s32 @!p2 $0x0  }
0x1d: {  	s5 =	simm.s32 @p1 $0x1;
	p0 =	seq.s32 s7, s2  }
0x1e: {  	s7 =	smul.u32 @!p0 $0xF7A, s2;
	p2 =	seq.s32 @!p0 s5, $0x0  }
0x1f: {  	s9 =	smul.u32 $0xF7A, s1;
	s8 =	simm.s32 @!p0 $0x1BF5;
	p2 =	por !p2, p0  }
0x20: {  	[sflag:s8] =	ssyncset.s32 @!p0 $0xFFFFF086;
	s6 =	sadd.s32 @!p0 s3, s7;
	s7 =	simm.s32 @!p0 $0x108  }
0x21: {  	s3 =	sadd.s32 s3, s9;
	s6 =	sadd.s32 @!p0 $0x88, s6;
	s7 =	simm.s32 @p2 $0x1082  }
0x22: {  	[simem:s7], [sflag:s8] =	dma.local @!p0 [hbm:s6], $0xF7A  }
0x23: {  	s9 =	sor.u32 $0xD0000000, s2;
	s6 =	simm.s32 $0x108;
	_ =	swait.ge @!p0 [sflag:s8], $0x0  }
0x24: {  	s3 =	sadd.s32 $0x88, s3;
	s6 =	simm.s32 @!p1 $0x1082;
	[sflag:s4] =	ssyncset.s32 $0xFFFFF086  }
0x25: {  	[simem:s6], [sflag:s4] =	dma.local [hbm:s3], $0xF7A  }
0x26: {  	[smem:$0x3F9A] =	sst s1;
	(tag) =	ssettag s2;
	_ =	strace s9  }
0x27: {  	s1 =	sld [smem:$0x3FAA]  }
0x28: {  	s2 =	sld [smem:$0x3FAB]  }
0x29: {  	s4 =	sld [smem:$0x3FAD]  }
0x2a: {  	p0 =	seq.s32 s5, $0x0;
	s5 =	sld [smem:$0x3FAE]  }
0x2b: {  	s6 =	sld [smem:$0x3FAF]  }
0x2c: {  	s7 =	sld [smem:$0x3FB0]  }
0x2d: {  	s3 =	simm.s32 $0x108;
	s8 =	sld [smem:$0x3FB1]  }
0x2e: {  	s3 =	simm.s32 @!p0 $0x1082;
	s9 =	sld [smem:$0x3FB2]  }
0x2f: {  	lr =	sadd.s32 s0, s3;
	s0 =	sld [smem:$0x3FA9]  }
0x30: {  	s3 =	sld [smem:$0x3FAC]  }
0x31: {  	[smem:$0x3FB5] =	sst s10  }
0x32: {  	s10 =	sld [smem:$0x3FB3];
	_ =	sdelay $0x3  }
0x33: {  	p0 =	seq.s32 s10, $0x1;
	s10 =	sld [smem:$0x3FB5];
	_ =	sdelay $0x3  }
0x34: {  	[smem:$0x3FB5] =	sst s10  }
0x35: {  	s10 =	sld [smem:$0x3FB4];
	_ =	sdelay $0x3  }
0x36: {  	p1 =	seq.s32 s10, $0x1;
	s10 =	sld [smem:$0x3FB5];
	_ =	sdelay $0x3  }
0x37: {  	[smem:$0x3FB5] =	sst s10  }
0x38: {  	s10 =	sld [smem:$0x3FB6]  }
0x39: {  	_ = 	snop;
	(pc) =	sbr.ind lr, $3  }
0x3a: {  	_ = 	snop  }
0x3b: {  	_ = 	snop  }
0x3c: {  	p2 =	seq.s32 s10, $0x1;
	s10 =	sld [smem:$0x3FB5]  }
0x3d: {  	_ =	shalt  }
0x3e: {  	_ =	shalt  }
0x3f: {  	_ =	shalt  }
0x40: {  	_ =	shalt  }
0x41: {  	_ =	shalt  }
0x42: {  	_ =	shalt  }
0x43: {  	_ =	shalt  }
0x44: {  	_ =	shalt  }
0x45: {  	_ =	shalt  }
0x46: {  	_ =	shalt  }
0x47: {  	_ =	shalt  }
0x48: {  	_ =	shalt  }
0x49: {  	_ =	shalt  }
0x4a: {  	_ =	shalt  }
0x4b: {  	_ =	shalt  }
0x4c: {  	_ =	shalt  }
0x4d: {  	_ =	shalt  }
0x4e: {  	_ =	shalt  }
0x4f: {  	_ =	shalt  }
0x50: {  	_ =	shalt  }
0x51: {  	_ =	shalt  }
0x52: {  	_ =	shalt  }
0x53: {  	_ =	shalt  }
0x54: {  	_ =	shalt  }
0x55: {  	_ =	shalt  }
0x56: {  	_ =	shalt  }
0x57: {  	_ =	shalt  }
0x58: {  	_ =	shalt  }
0x59: {  	_ =	shalt  }
0x5a: {  	_ =	shalt  }
0x5b: {  	_ =	shalt  }
0x5c: {  	_ =	shalt  }
0x5d: {  	_ =	shalt  }
0x5e: {  	_ =	shalt  }
0x5f: {  	_ =	shalt  }
0x60: {  	_ =	shalt  }
0x61: {  	_ =	shalt  }
0x62: {  	_ =	shalt  }
0x63: {  	_ =	shalt  }
0x64: {  	_ =	shalt  }
0x65: {  	_ =	shalt  }
0x66: {  	_ =	shalt  }
0x67: {  	_ =	shalt  }
0x68: {  	_ =	shalt  }
0x69: {  	_ =	shalt  }
0x6a: {  	_ =	shalt  }
0x6b: {  	_ =	shalt  }
0x6c: {  	_ =	shalt  }
0x6d: {  	_ =	shalt  }
0x6e: {  	_ =	shalt  }
0x6f: {  	_ =	shalt  }
0x70: {  	_ =	shalt  }
0x71: {  	_ =	shalt  }
0x72: {  	_ =	shalt  }
0x73: {  	_ =	shalt  }
0x74: {  	_ =	shalt  }
0x75: {  	_ =	shalt  }
0x76: {  	_ =	shalt  }
0x77: {  	_ =	shalt  }
0x78: {  	_ =	shalt  }
0x79: {  	_ =	shalt  }
0x7a: {  	_ =	shalt  }
0x7b: {  	_ =	shalt  }
0x7c: {  	_ =	shalt  }
0x7d: {  	_ =	shalt  }
0x7e: {  	_ =	shalt  }
0x7f: {  	_ =	shalt  }
0x80: {  	_ =	shalt  }
0x81: {  	_ =	shalt  }
0x82: {  	_ =	shalt  }
0x83: {  	_ =	shalt  }
0x84: {  	_ =	shalt  }
0x85: {  	_ =	shalt  }
0x86: {  	_ =	shalt  }
0x87: {  	_ =	shalt  }
.Lfunc_end0:
.L_simem_size_0:
called_computation_lowered:
.L_overlay_start_0:
0x88: {  	s2 =	sld [smem:$0x3FD9]  }
0x89: {  	s3 =	sld [smem:$0x3FFE];
	_ =	sdelay $0x1  }
0x8a: {  	s1 =	srdreg.scid  }
0x8b: {  	s0 =	sand.u32 $0x1, s1  }
0x8c: {  	s17 =	sshll.u32 s0, $0xA;
	s2 =	sadd.s32 s3, s2  }
0x8d: {  	s2 =	sadd.s32 s2, s17  }
0x8e: {  	[smem:$0x3FC1] =	sst s2  }
0x8f: {  	_ = 	snop  }
0x90: {  	s2 =	sld [smem:$0x3FC9]  }
0x91: {  	s18 =	sld [smem:$0x3FC8]  }
0x92: {  	s4 =	sld [smem:$0x3FC7]  }
0x93: {  	s5 =	sld [smem:$0x3FD0];
	(tm) =	ssettm $0x1  }
0x94: {  	s6 =	sld [smem:$0x3FFB];
	_ =	sdelay $0x3  }
0x95: {  	_ =	strace s6  }
0x96: {  	s6 =	sld [smem:$0x3FFC];
	_ =	sdelay $0x3  }
0x97: {  	_ =	strace s6  }
0x98: {  	s6 =	sld [smem:$0x3FFD];
	_ =	sdelay $0x3  }
0x99: {  	_ =	strace s6  }
0x9a: {  	_ =	strace $0x8FFFFFFF  }
0x9b: {  	s19 =	sld [smem:$0x3FDB];
	_ =	sdelay $0x1  }
0x9c: {  	s7 =	simm.s32 $_scs_section_size  }
0x9d: {  	s8 =	simm.s32 $_size__tile_overlayer_lowered;
	s9 =	simm.s32 $_tile_overlayer_lowered  }
0x9e: {  	s22 =	simm.s32 $0x1BFF;
	s21 =	sshll.u32 s9, $0x1;
	s6 =	sadd.s32 s7, s19  }
0x9f: {  	s10 =	simm.s32 $0x0;
	s20 =	sshll.u32 s8, $0x1;
	s8 =	sadd.s32 s21, s6  }
0xa0: {  	[timem:s10], [sflag:s22] =	dma.local [hbm:s8], s20  }
0xa1: {  	_ =	swait.ge [sflag:s22], s20  }
0xa2: {  	s7 =	ssub.s32 $0x0, s20;
	[sflag:s22] =	ssyncset.done $0x0  }
0xa3: {  	[sflag:s22] =	ssyncadd.s32 s7;
	_ =	sdelay $0x1  }
0xa4: {  	s23 =	simm.s32 $0x1B8B  }
0xa5: {  	_ =	swait.ge [sflag:s23], $0x1  }
0xa6: {  	[sflag:s23] =	ssyncset.done $0x0  }
0xa7: {  	s25 =	simm.s32 $0x1B8E;
	s24 =	sld [smem:$0x3FFE];
	[sflag:s23] =	ssyncadd.s32 $0xFFFFFFFF  }
0xa8: {  	s26 =	simm.s32 $execute0_lowered;
	[smem:$0x3FD2] =	sst s25  }
0xa9: {  	s8 =	sshll.u32 s26, $0x1;
	_ =	strace $0x80000046;
	[dreg:$0x1] =	wrdreg $0xFFFFFFFF  }
0xaa: {  	s28 =	simm.s32 $_size_execute0_lowered;
	s6 =	sadd.s32 s6, s8;
	[dreg:$0x0] =	wrdreg $0x0  }
0xab: {  	s8 =	sshll.u32 s28, $0x1;
	[dreg:$0x2] =	wrdreg s6  }
0xac: {  	[dreg:$0x3] =	wrdreg s8  }
0xad: {  	[dreg:$0x4] =	wrdreg $0xC0  }
0xae: {  	_ =	task [dreg:s10], $0x5FFFF  }
0xaf: {  	[dreg:$0x1] =	wrdreg $0xFFFFFFFF  }
0xb0: {  	[dreg:$0x0] =	wrdreg $0x60  }
0xb1: {  	[dreg:$0x2] =	wrdreg s2  }
0xb2: {  	[dreg:$0x3] =	wrdreg s18  }
0xb3: {  	[dreg:$0x4] =	wrdreg s4  }
0xb4: {  	[dreg:$0x5] =	wrdreg s24  }
0xb5: {  	[dreg:$0x6] =	wrdreg s5  }
0xb6: {  	[dreg:$0x7] =	wrdreg $0x9  }
0xb7: {  	_ =	task.clear_ibuf [dreg:s10], $0x8FFFF;
	_ =	strace $0x90000046  }
0xb8: {  	s29 =	simm.s32 $0x9;
	_ =	strace $0x80000048  }
0xb9: {  	_ =	swait.ge [sflag:s29], $0x1  }
0xba: {  	[sflag:s29] =	ssyncadd.s32 $0xFFFFFFFF  }
0xbb: {  	_ =	strace $0x90000048  }
0xbc: {  	_ =	sfence  }
0xbd: {  	s30 =	sld [smem:$0x0];
	_ =	sdelay $0x2  }
0xbe: {  	s31 =	sshll.u32 s1, $0xD;
	s1 =	sshrl.u32 s1, $0x2  }
0xbf: {  	s3 =	sand.u32 $0x4000, s31;
	s1 =	sadd.s32 s1, s30  }
0xc0: {  	s0 =	sor.u32 s3, s0;
	s1 =	sshll.u32 s1, $0x11  }
0xc1: {  	s0 =	sor.u32 s1, s0  }
0xc2: {  	s0 =	sadd.s32 $0x8F2B, s0  }
0xc3: {  	[sflag:s0] =	ssyncadd.remote.s32 $0x1  }
0xc4: {  	_ =	sfence.sel $0xFFFF  }
0xc5: {  	[dreg:$0x0] =	wrdreg $0xFFFFFFFF;
	(pc) =	sbr.abs _section_cstart, $3  }
0xc6: {  	[dreg:$0x1] =	wrdreg $0xFFFFFFFF  }
0xc7: {  	_ =	task.clear_ibuf [dreg:s10], $0x2FFFF;
	_ =	strace $0x9FFFFFFF  }
0xc8: {  	(tm) =	ssettm $0x7FFFFFFF  }
0xc9: {  	_ =	shalt  }
tec
execute0_lowered:
.L_overlay_start_1:
0x0: {  	(tag) =	ssettag $0x1  }
0x1: {  	s1 =	rddreg [dreg:$0x0]  }
0x2: {  	s2 =	rddreg [dreg:$0x1]  }
0x3: {  	s3 =	rddreg [dreg:$0x2]  }
0x4: {  	s10 =	rddreg [dreg:$0x3]  }
0x5: {  	s4 =	rddreg [dreg:$0x4]  }
0x6: {  	s0 =	rddreg [dreg:$0x5];
	s5 =	simm.s32 $0x0;
	s6 =	srdreg.scid  }
0x7: {  	s14 =	simm.s32 $0x80;
	s15 =	simm.s32 $0x100;
	s16 =	simm.s32 $0x180  }
0x8: {  	s17 =	simm.s32 $0x1180;
	s18 =	simm.s32 $0x2180;
	s19 =	simm.s32 $0x3180  }
0x9: {  	s20 =	simm.s32 $0x4180;
	s21 =	simm.s32 $0x5180;
	s22 =	simm.s32 $0x1  }
0xa: {  	s23 =	simm.s32 $0x6180;
	s24 =	simm.s32 $0x0;
	[smem:$0x7FF] =	sst s5  }
0xb: {  	s11 =	sand.u32 $0x1, s6;
	s7 =	sadd.s32 $0xF42800, s10;
	s8 =	sadd.s32 $0x1313200, s10  }
0xc: {  	v0 =	vlaneseq.u32;
	s9 =	sadd.s32 $0x16E3C00, s10;
	s6 =	stileid.u32;
	s12 =	ssub.s32 $0x2, s11  }
0xd: {  	s10 =	sadd.s32 $0x1AB4600, s10;
	v52 =	vmul.u32 $0x20, v0;
	_ =	strace $0x80000047;
	s13 =	sshrl.u32 s12, $0x1  }
0xe: {  	s31 =	sshll.u32 s6, $0x8;
	s11 =	sshll.u32 s11, $0x7;
	s12 =	ssub.s32 s12, s13  }
0xf: {  	s11 =	sor.u32 s11, s31;
	[tilespmem:$0x1FFF0] =	vst v52;
	s13 =	simm.s32 $0x2;
	s12 =	smax.u32 s12, $0x1  }
.LBB2_1:
0x10: {  	s25 =	simm.s32 $0x0  }
.LBB2_2:
0x11: {  	s26 =	sshll.u32 s25, $0x4  }
0x12: {  	s26 =	sadd.s32 s11, s26  }
0x13: {  	s29 =	simm.s32 $0x0;
	s28 =	sadd.s32 s1, s26  }
0x14: {  	[tilespmem:s29], [sflag:$0x2] =	stream.linear.gather [hbm4b:s28+s29], $0x80, $0x38;
	[tilespmem:$0x6200] =	vst v63  }
0x15: {  	_ =	swait.ge [sflag:s13], $0x80  }
0x16: {  	[sflag:s13] =	ssyncset.done $0x0  }
0x17: {  	s28 =	sadd.s32 s2, s26;
	[sflag:s13] =	ssyncadd.s32 $0xFFFFFF80  }
0x18: {  	[tilespmem:s14], [sflag:$0x2] =	stream.linear.gather [hbm4b:s28+s29], $0x80, $0x38;
	[tilespmem:$0x6200] =	vst v63  }
0x19: {  	_ =	swait.ge [sflag:s13], $0x80  }
0x1a: {  	[sflag:s13] =	ssyncset.done $0x0  }
0x1b: {  	s28 =	sadd.s32 s3, s26;
	[sflag:s13] =	ssyncadd.s32 $0xFFFFFF80  }
0x1c: {  	[tilespmem:s15], [sflag:$0x2] =	stream.linear.gather [hbm4b:s28+s29], $0x80, $0x38;
	[tilespmem:$0x6200] =	vst v63  }
0x1d: {  	_ =	swait.ge [sflag:s13], $0x80  }
0x1e: {  	[sflag:s13] =	ssyncset.done $0x0  }
0x1f: {  	[sflag:s13] =	ssyncadd.s32 $0xFFFFFF80  }
0x20: {  	[tilespmem:s16], [sflag:$0x1] =	stream.indirect.gather [hbm4b:s7+s14], $0x20, s29, s14, $0xb8;
	[tilespmem:$0x6200] =	vst v63  }
0x21: {  	_ = 	snop  }
0x22: {  	[tilespmem:s17], [sflag:$0x1] =	stream.indirect.gather [hbm4b:s8+s14], $0x20, s29, s14, $0xb8;
	[tilespmem:$0x6200] =	vst v63  }
0x23: {  	_ = 	snop  }
0x24: {  	[tilespmem:s18], [sflag:$0x1] =	stream.indirect.gather [hbm4b:s7+s14], $0x20, s15, s14, $0xb8;
	[tilespmem:$0x6200] =	vst v63  }
0x25: {  	_ = 	snop  }
0x26: {  	[tilespmem:s19], [sflag:$0x1] =	stream.indirect.gather [hbm4b:s8+s14], $0x20, s15, s14, $0xb8;
	[tilespmem:$0x6200] =	vst v63  }
0x27: {  	_ = 	snop  }
0x28: {  	[tilespmem:s20], [sflag:$0x1] =	stream.indirect.gather [hbm4b:s9+s14], $0x20, s14, s14, $0xb8;
	[tilespmem:$0x6200] =	vst v63  }
0x29: {  	_ = 	snop  }
0x2a: {  	[tilespmem:s21], [sflag:$0x1] =	stream.indirect.gather [hbm4b:s10+s14], $0x20, s14, s14, $0xb8;
	[tilespmem:$0x6200] =	vst v63  }
0x2b: {  	_ =	swait.ge [sflag:s22], $0x1000  }
0x2c: {  	[sflag:s22] =	ssyncset.done $0x0  }
0x2d: {  	[sflag:s22] =	ssyncadd.s32 $0xFFFFF000  }
0x2e: {  	_ =	swait.ge [sflag:s22], $0x1000  }
0x2f: {  	[sflag:s22] =	ssyncset.done $0x0  }
0x30: {  	[sflag:s22] =	ssyncadd.s32 $0xFFFFF000  }
0x31: {  	_ =	swait.ge [sflag:s22], $0x1000  }
0x32: {  	[sflag:s22] =	ssyncset.done $0x0  }
0x33: {  	[sflag:s22] =	ssyncadd.s32 $0xFFFFF000  }
0x34: {  	_ =	swait.ge [sflag:s22], $0x1000  }
0x35: {  	v0 =	vmov s29;
	[sflag:s22] =	ssyncset.done $0x0  }
0x36: {  	v0 =	vshll.u32 v0, $0x5;
	[sflag:s22] =	ssyncadd.s32 $0xFFFFF000  }
0x37: {  	v4 =	vor.u32 v52, v0;
	_ =	swait.ge [sflag:s22], $0x1000  }
0x38: {  	v20 =	vor.u32 $0x1D, v4;
	[sflag:s22] =	ssyncset.done $0x0  }
0x39: {  	v7 =	vor.u32 $0x8, v4;
	[sflag:s22] =	ssyncadd.s32 $0xFFFFF000  }
0x3a: {  	_ =	swait.ge [sflag:s22], $0x1000  }
0x3b: {  	v8 =	vor.u32 $0x7, v4;
	[sflag:s22] =	ssyncset.done $0x0  }
0x3c: {  	[sflag:s22] =	ssyncadd.s32 $0xFFFFF000  }
0x3d: {  	v9 =	vor.u32 $0x6, v4;
	v1 =	vld.idx.msk [tilespmem:v20+s21+$0x0], $0xffff  }
0x3e: {  	v29 =	vld.idx.msk [tilespmem:v7+s21+$0x0], $0xffff  }
0x3f: {  	v10 =	vor.u32 $0x5, v4;
	v30 =	vld.idx.msk [tilespmem:v7+s20+$0x0], $0xffff  }
0x40: {  	v31 =	vld.idx.msk [tilespmem:v8+s21+$0x0], $0xffff  }
0x41: {  	v11 =	vor.u32 $0x4, v4;
	v32 =	vld.idx.msk [tilespmem:v8+s20+$0x0], $0xffff  }
0x42: {  	v33 =	vld.idx.msk [tilespmem:v9+s21+$0x0], $0xffff  }
0x43: {  	v12 =	vor.u32 $0x3, v4;
	v35 =	vld.idx.msk [tilespmem:v9+s20+$0x0], $0xffff  }
0x44: {  	v27 =	vld.idx.msk [tilespmem:v10+s21+$0x0], $0xffff  }
0x45: {  	v14 =	vor.u32 $0x1, v4;
	v26 =	vld.idx.msk [tilespmem:v10+s20+$0x0], $0xffff  }
0x46: {  	v24 =	vld.idx.msk [tilespmem:v11+s21+$0x0], $0xffff  }
0x47: {  	v17 =	vld.idx.msk [tilespmem:v11+s20+$0x0], $0xffff  }
0x48: {  	v16 =	vld.idx.msk [tilespmem:v12+s21+$0x0], $0xffff  }
0x49: {  	v13 =	vor.u32 $0x2, v4;
	v18 =	vld.idx.msk [tilespmem:v12+s20+$0x0], $0xffff  }
0x4a: {  	v22 =	vld.idx.msk [tilespmem:v14+s21+$0x0], $0xffff  }
0x4b: {  	v23 =	vld.idx.msk [tilespmem:v14+s20+$0x0], $0xffff  }
0x4c: {  	v25 =	vld.idx.msk [tilespmem:v4+s21+$0x0], $0xffff  }
0x4d: {  	v28 =	vld.idx.msk [tilespmem:v4+s20+$0x0], $0xffff  }
0x4e: {  	v34 =	vld.idx.msk [tilespmem:v13+s18+$0x0], $0xffff  }
0x4f: {  	v36 =	vld.idx.msk [tilespmem:v4+s18+$0x0], $0xffff  }
0x50: {  	v37 =	vld.idx.msk [tilespmem:v4+s16+$0x0], $0xffff  }
0x51: {  	v38 =	vld.idx.msk [tilespmem:v4+s19+$0x0], $0xffff  }
0x52: {  	v39 =	vld.idx.msk [tilespmem:v4+s17+$0x0], $0xffff  }
0x53: {  	v41 =	vld.idx.msk [tilespmem:v14+s18+$0x0], $0xffff  }
0x54: {  	v40 =	vld.idx.msk [tilespmem:v14+s16+$0x0], $0xffff  }
0x55: {  	v44 =	vld.idx.msk [tilespmem:v14+s19+$0x0], $0xffff  }
0x56: {  	v14 =	vld.idx.msk [tilespmem:v14+s17+$0x0], $0xffff  }
0x57: {  	v45 =	vld.idx.msk [tilespmem:v13+s16+$0x0], $0xffff  }
0x58: {  	v48 =	vld.idx.msk [tilespmem:v12+s18+$0x0], $0xffff  }
0x59: {  	v49 =	vld.idx.msk [tilespmem:v12+s16+$0x0], $0xffff  }
0x5a: {  	v50 =	vld.idx.msk [tilespmem:v12+s19+$0x0], $0xffff  }
0x5b: {  	v51 =	vld.idx.msk [tilespmem:v12+s17+$0x0], $0xffff  }
0x5c: {  	v52 =	vld.idx.msk [tilespmem:v11+s18+$0x0], $0xffff  }
0x5d: {  	v53 =	vld.idx.msk [tilespmem:v11+s16+$0x0], $0xffff  }
0x5e: {  	v54 =	vld.idx.msk [tilespmem:v11+s19+$0x0], $0xffff  }
0x5f: {  	v55 =	vld.idx.msk [tilespmem:v11+s17+$0x0], $0xffff  }
0x60: {  	v56 =	vld.idx.msk [tilespmem:v10+s18+$0x0], $0xffff  }
0x61: {  	v57 =	vld.idx.msk [tilespmem:v10+s16+$0x0], $0xffff  }
0x62: {  	v58 =	vld.idx.msk [tilespmem:v10+s19+$0x0], $0xffff  }
0x63: {  	v15 =	vor.u32 $0x1C, v4;
	[tilespmem:$0x1FDA0] =	vst v1;
	v1 =	vld.idx.msk [tilespmem:v20+s20+$0x0], $0xffff  }
0x64: {  	v59 =	vld.idx.msk [tilespmem:v10+s17+$0x0], $0xffff  }
0x65: {  	v60 =	vld.idx.msk [tilespmem:v9+s18+$0x0], $0xffff  }
0x66: {  	v61 =	vld.idx.msk [tilespmem:v9+s16+$0x0], $0xffff  }
0x67: {  	v62 =	vld.idx.msk [tilespmem:v9+s19+$0x0], $0xffff  }
0x68: {  	v0 =	vor.u32 $0x9, v4;
	[tilespmem:$0x1FD90] =	vst v1;
	v1 =	vld.idx.msk [tilespmem:v15+s21+$0x0], $0xffff  }
0x69: {  	v63 =	vld.idx.msk [tilespmem:v9+s17+$0x0], $0xffff  }
0x6a: {  	v5 =	vld.idx.msk [tilespmem:v8+s18+$0x0], $0xffff  }
0x6b: {  	v9 =	vld.idx.msk [tilespmem:v8+s16+$0x0], $0xffff  }
0x6c: {  	v3 =	vld.idx.msk [tilespmem:v8+s19+$0x0], $0xffff  }
0x6d: {  	[tilespmem:$0x1FD80] =	vst v1;
	v1 =	vld.idx.msk [tilespmem:v0+s21+$0x0], $0xffff  }
0x6e: {  	v2 =	vld.idx.msk [tilespmem:v8+s17+$0x0], $0xffff  }
0x6f: {  	v42 =	vld.idx.msk [tilespmem:v7+s18+$0x0], $0xffff  }
0x70: {  	v43 =	vld.idx.msk [tilespmem:v7+s16+$0x0], $0xffff  }
0x71: {  	v6 =	vld.idx.msk [tilespmem:v7+s19+$0x0], $0xffff;
	v8 =	vmul.f32 v36, v37;
	v10 =	vmul.f32 v38, v39  }
0x72: {  	[tilespmem:$0x1FD40] =	vst v1;
	v1 =	vld.idx.msk [tilespmem:v0+s20+$0x0], $0xffff  }
0x73: {  	v11 =	vmul.f32 v38, v37;
	v12 =	vmul.f32 v36, v39;
	v36 =	vld.idx.msk [tilespmem:v7+s17+$0x0], $0xffff;
	v8 =	vadd.f32 v10, v8  }
0x74: {  	v37 =	vld.idx.msk [tilespmem:v0+s18+$0x0], $0xffff;
	v10 =	vor.u32 $0x1B, v4  }
0x75: {  	v38 =	vld.idx.msk [tilespmem:v0+s16+$0x0], $0xffff;
	v11 =	vsub.f32 v11, v12;
	v12 =	vmul.f32 v44, v40;
	v7 =	vmul.f32 v8, v28  }
0x76: {  	v8 =	vmul.f32 v41, v40;
	v28 =	vmul.f32 v44, v14;
	v40 =	vld.idx.msk [tilespmem:v0+s19+$0x0], $0xffff  }
0x77: {  	[tilespmem:$0x1FD30] =	vst v1;
	v1 =	vld.idx.msk [tilespmem:v15+s20+$0x0], $0xffff  }
0x78: {  	v44 =	vmul.f32 v41, v14;
	v41 =	vld.idx.msk [tilespmem:v0+s17+$0x0], $0xffff;
	v0 =	vadd.f32 v28, v8  }
0x79: {  	v46 =	vld.idx.msk [tilespmem:v13+s19+$0x0], $0xffff  }
0x7a: {  	v23 =	vmul.f32 v0, v23;
	v0 =	vld.idx.msk [tilespmem:v10+s20+$0x0], $0xffff  }
0x7b: {  	v47 =	vld.idx.msk [tilespmem:v13+s17+$0x0], $0xffff  }
0x7c: {  	[tilespmem:$0x1FD70] =	vst v1;
	v1 =	vld.idx.msk [tilespmem:v10+s21+$0x0], $0xffff  }
0x7d: {  	v14 =	vor.u32 $0x19, v4  }
0x7e: {  	v11 =	vmul.f32 v11, v25;
	v25 =	vadd.f32 $0.0e+00, v7  }
0x7f: {  	[tilespmem:$0x1FD50] =	vst v0;
	v0 =	vor.u32 $0xA, v4  }
0x80: {  	v21 =	vld.idx.msk [tilespmem:v13+s20+$0x0], $0xffff;
	v12 =	vsub.f32 v12, v44;
	v25 =	vadd.f32 v25, v11  }
0x81: {  	v19 =	vld.idx.msk [tilespmem:v13+s21+$0x0], $0xffff;
	v39 =	vmul.f32 v34, v45;
	[tilespmem:$0x1FD60] =	vst v1;
	v1 =	vmul.f32 v46, v47  }
0x82: {  	v22 =	vmul.f32 v12, v22;
	v12 =	vld.idx.msk [tilespmem:v14+s21+$0x0], $0xffff;
	v23 =	vadd.f32 v23, v25  }
0x83: {  	v8 =	vld.idx.msk [tilespmem:v14+s20+$0x0], $0xffff;
	v25 =	vmul.f32 v46, v45;
	v1 =	vadd.f32 v1, v39;
	v39 =	vmul.f32 v34, v47  }
0x84: {  	v28 =	vor.u32 $0xB, v4;
	v22 =	vadd.f32 v23, v22;
	v23 =	vmul.f32 v48, v49;
	v45 =	vld.idx.msk [tilespmem:v0+s18+$0x0], $0xffff  }
0x85: {  	v47 =	vld.idx.msk [tilespmem:v0+s20+$0x0], $0xffff;
	v1 =	vmul.f32 v1, v21;
	v21 =	vsub.f32 v25, v39;
	v25 =	vmul.f32 v50, v51  }
0x86: {  	v39 =	vld.idx.msk [tilespmem:v0+s21+$0x0], $0xffff  }
0x87: {  	v19 =	vmul.f32 v21, v19;
	v21 =	vadd.f32 v25, v23;
	v23 =	vmul.f32 v48, v51;
	v48 =	vld.idx.msk [tilespmem:v0+s16+$0x0], $0xffff  }
0x88: {  	v1 =	vadd.f32 v1, v22;
	v22 =	vmul.f32 v50, v49;
	v49 =	vld.idx.msk [tilespmem:v0+s19+$0x0], $0xffff  }
0x89: {  	v50 =	vld.idx.msk [tilespmem:v0+s17+$0x0], $0xffff;
	v0 =	vmul.f32 v52, v53  }
0x8a: {  	v46 =	vld.idx.msk [tilespmem:v28+s20+$0x0], $0xffff;
	v25 =	vmul.f32 v52, v55;
	v1 =	vadd.f32 v1, v19;
	v18 =	vmul.f32 v21, v18  }
0x8b: {  	v34 =	vld.idx.msk [tilespmem:v28+s21+$0x0], $0xffff;
	v21 =	vsub.f32 v22, v23;
	v22 =	vmul.f32 v54, v55;
	v23 =	vmul.f32 v54, v53  }
0x8c: {  	v51 =	vld.idx.msk [tilespmem:v28+s18+$0x0], $0xffff;
	v19 =	vor.u32 $0x18, v4;
	v55 =	vmul.f32 v56, v59;
	v1 =	vadd.f32 v18, v1  }
0x8d: {  	v52 =	vld.idx.msk [tilespmem:v28+s16+$0x0], $0xffff;
	v16 =	vmul.f32 v21, v16;
	v0 =	vadd.f32 v22, v0;
	v22 =	vor.u32 $0x17, v4  }
0x8e: {  	v53 =	vld.idx.msk [tilespmem:v28+s19+$0x0], $0xffff;
	v18 =	vmul.f32 v56, v57;
	v21 =	vmul.f32 v58, v59;
	v56 =	vor.u32 $0xD, v4  }
0x8f: {  	v54 =	vld.idx.msk [tilespmem:v28+s17+$0x0], $0xffff;
	v1 =	vadd.f32 v1, v16;
	v16 =	vmul.f32 v0, v17;
	v17 =	vsub.f32 v23, v25  }
0x90: {  	v59 =	vmul.f32 v62, v63;
	v25 =	vor.u32 $0x16, v4;
	v23 =	vmul.f32 v58, v57;
	v0 =	vld [tilespmem:$0x1FD30]  }
0x91: {  	v21 =	vadd.f32 v21, v18;
	v1 =	vadd.f32 v16, v1;
	v16 =	vld.idx.msk [tilespmem:v19+s21+$0x0], $0xffff;
	v24 =	vmul.f32 v17, v24  }
0x92: {  	v57 =	vor.u32 $0xC, v4;
	v58 =	vmul.f32 v60, v61;
	v17 =	vld.idx.msk [tilespmem:v19+s20+$0x0], $0xffff;
	v55 =	vsub.f32 v23, v55  }
0x93: {  	v26 =	vmul.f32 v21, v26;
	v18 =	vld.idx.msk [tilespmem:v22+s21+$0x0], $0xffff;
	v24 =	vadd.f32 v1, v24  }
0x94: {  	v7 =	vld.idx.msk [tilespmem:v22+s20+$0x0], $0xffff;
	v27 =	vmul.f32 v55, v27;
	v55 =	vadd.f32 v59, v58;
	v58 =	vmul.f32 v62, v61  }
0x95: {  	v59 =	vmul.f32 v60, v63;
	v60 =	vld.idx.msk [tilespmem:v56+s21+$0x0], $0xffff;
	v61 =	vmul.f32 v3, v2  }
0x96: {  	v3 =	vmul.f32 v3, v9;
	v2 =	vmul.f32 v5, v2;
	v21 =	vld.idx.msk [tilespmem:v25+s21+$0x0], $0xffff;
	v26 =	vadd.f32 v26, v24  }
0x97: {  	v62 =	vld.idx.msk [tilespmem:v57+s20+$0x0], $0xffff  }
0x98: {  	v28 =	vor.u32 $0x15, v4;
	v2 =	vsub.f32 v3, v2;
	v3 =	vld.idx.msk [tilespmem:v57+s17+$0x0], $0xffff;
	v26 =	vadd.f32 v26, v27  }
0x99: {  	v27 =	vmul.f32 v55, v35;
	v35 =	vsub.f32 v58, v59;
	v58 =	vld.idx.msk [tilespmem:v57+s21+$0x0], $0xffff;
	v59 =	vmul.f32 v5, v9  }
0x9a: {  	v5 =	vld.idx.msk [tilespmem:v57+s16+$0x0], $0xffff  }
0x9b: {  	v26 =	vadd.f32 v27, v26;
	v27 =	vmul.f32 v35, v33;
	v63 =	vadd.f32 v61, v59;
	v59 =	vld.idx.msk [tilespmem:v57+s18+$0x0], $0xffff  }
0x9c: {  	v61 =	vld.idx.msk [tilespmem:v57+s19+$0x0], $0xffff;
	v57 =	vmul.f32 v6, v36  }
0x9d: {  	v23 =	vld.idx.msk [tilespmem:v25+s20+$0x0], $0xffff;
	v9 =	vadd.f32 v26, v27;
	v26 =	vmul.f32 v63, v32;
	v27 =	vmul.f32 v42, v43  }
0x9e: {  	v24 =	vld.idx.msk [tilespmem:v28+s21+$0x0], $0xffff;
	v6 =	vmul.f32 v6, v43;
	v33 =	vor.u32 $0x14, v4;
	v63 =	vmul.f32 v42, v36  }
0x9f: {  	v55 =	vld.idx.msk [tilespmem:v56+s20+$0x0], $0xffff;
	v2 =	vmul.f32 v2, v31;
	v9 =	vadd.f32 v26, v9;
	v26 =	vadd.f32 v57, v27  }
0xa0: {  	v36 =	vld.idx.msk [tilespmem:v56+s18+$0x0], $0xffff;
	v6 =	vsub.f32 v6, v63;
	v27 =	vmul.f32 v37, v38  }
0xa1: {  	v43 =	vld.idx.msk [tilespmem:v56+s16+$0x0], $0xffff;
	v63 =	vmul.f32 v40, v41;
	v2 =	vadd.f32 v9, v2;
	v9 =	vmul.f32 v26, v30  }
0xa2: {  	v42 =	vor.u32 $0x13, v4;
	v57 =	vld.idx.msk [tilespmem:v56+s19+$0x0], $0xffff  }
0xa3: {  	v31 =	vld.idx.msk [tilespmem:v33+s21+$0x0], $0xffff;
	v6 =	vmul.f32 v6, v29;
	v2 =	vadd.f32 v9, v2;
	v9 =	vadd.f32 v63, v27  }
0xa4: {  	v26 =	vld.idx.msk [tilespmem:v56+s17+$0x0], $0xffff  }
0xa5: {  	v56 =	vor.u32 $0x12, v4;
	v2 =	vadd.f32 v2, v6;
	v6 =	vmul.f32 v9, v0;
	v0 =	vld [tilespmem:$0x1FD40]  }
0xa6: {  	v40 =	vmul.f32 v40, v38;
	v37 =	vmul.f32 v37, v41;
	v30 =	vld.idx.msk [tilespmem:v28+s20+$0x0], $0xffff  }
0xa7: {  	v29 =	vld.idx.msk [tilespmem:v33+s20+$0x0], $0xffff;
	v9 =	vor.u32 $0x10, v4  }
0xa8: {  	v38 =	vmul.f32 v45, v48;
	v37 =	vsub.f32 v40, v37;
	v40 =	vmul.f32 v49, v50;
	v32 =	vld.idx.msk [tilespmem:v42+s21+$0x0], $0xffff  }
0xa9: {  	v27 =	vld.idx.msk [tilespmem:v42+s20+$0x0], $0xffff;
	v2 =	vadd.f32 v6, v2;
	v6 =	vor.u32 $0xF, v4  }
0xaa: {  	v38 =	vadd.f32 v40, v38;
	v35 =	vld.idx.msk [tilespmem:v56+s21+$0x0], $0xffff;
	v37 =	vmul.f32 v37, v0;
	v0 =	vor.u32 $0xE, v4  }
0xab: {  	v48 =	vmul.f32 v49, v48;
	v45 =	vmul.f32 v45, v50;
	v41 =	vld.idx.msk [tilespmem:v56+s20+$0x0], $0xffff  }
0xac: {  	v2 =	vadd.f32 v2, v37;
	v37 =	vmul.f32 v38, v47;
	v38 =	vld.idx.msk [tilespmem:v9+s21+$0x0], $0xffff  }
0xad: {  	v45 =	vsub.f32 v48, v45;
	v47 =	vld.idx.msk [tilespmem:v9+s20+$0x0], $0xffff  }
0xae: {  	v48 =	vmul.f32 v51, v52;
	v1 =	vld.idx.msk [tilespmem:v6+s21+$0x0], $0xffff  }
0xaf: {  	v50 =	vmul.f32 v53, v54;
	v2 =	vadd.f32 v37, v2;
	v37 =	vmul.f32 v45, v39;
	v45 =	vld.idx.msk [tilespmem:v0+s21+$0x0], $0xffff  }
0xb0: {  	v54 =	vmul.f32 v51, v54;
	v51 =	vld.idx.msk [tilespmem:v0+s20+$0x0], $0xffff  }
0xb1: {  	v39 =	vadd.f32 v50, v48;
	v48 =	vmul.f32 v53, v52;
	v52 =	vld.idx.msk [tilespmem:v0+s16+$0x0], $0xffff  }
0xb2: {  	v53 =	vld.idx.msk [tilespmem:v0+s19+$0x0], $0xffff  }
0xb3: {  	v2 =	vadd.f32 v2, v37;
	v37 =	vmul.f32 v39, v46;
	v39 =	vld.idx.msk [tilespmem:v0+s18+$0x0], $0xffff  }
0xb4: {  	v50 =	vmul.f32 v61, v3;
	v46 =	vsub.f32 v48, v54;
	v0 =	vld.idx.msk [tilespmem:v0+s17+$0x0], $0xffff  }
0xb5: {  	v3 =	vmul.f32 v59, v3;
	v48 =	vmul.f32 v59, v5;
	v59 =	vld.idx.msk [tilespmem:v9+s19+$0x0], $0xffff  }
0xb6: {  	v5 =	vmul.f32 v61, v5;
	v34 =	vmul.f32 v46, v34;
	v46 =	vld.idx.msk [tilespmem:v6+s20+$0x0], $0xffff  }
0xb7: {  	v63 =	vor.u32 $0x11, v4;
	v2 =	vadd.f32 v37, v2;
	v61 =	vadd.f32 v50, v48;
	v37 =	vld.idx.msk [tilespmem:v6+s18+$0x0], $0xffff  }
0xb8: {  	v54 =	vmul.f32 v57, v26;
	v26 =	vmul.f32 v36, v26;
	v3 =	vsub.f32 v5, v3;
	v50 =	vld.idx.msk [tilespmem:v6+s16+$0x0], $0xffff  }
0xb9: {  	v5 =	vmul.f32 v36, v43;
	v36 =	vld.idx.msk [tilespmem:v9+s18+$0x0], $0xffff;
	v2 =	vadd.f32 v2, v34;
	v62 =	vmul.f32 v61, v62  }
0xba: {  	v43 =	vmul.f32 v57, v43;
	v34 =	vld.idx.msk [tilespmem:v6+s19+$0x0], $0xffff  }
0xbb: {  	v3 =	vmul.f32 v3, v58;
	v6 =	vld.idx.msk [tilespmem:v6+s17+$0x0], $0xffff;
	v5 =	vadd.f32 v54, v5;
	v2 =	vadd.f32 v62, v2  }
0xbc: {  	v58 =	vld.idx.msk [tilespmem:v9+s16+$0x0], $0xffff;
	v26 =	vsub.f32 v43, v26;
	v57 =	vmul.f32 v39, v52;
	v52 =	vmul.f32 v53, v52  }
0xbd: {  	v9 =	vld.idx.msk [tilespmem:v9+s17+$0x0], $0xffff;
	v5 =	vmul.f32 v5, v55;
	v2 =	vadd.f32 v2, v3;
	v3 =	vmul.f32 v53, v0  }
0xbe: {  	v40 =	vld.idx.msk [tilespmem:v63+s21+$0x0], $0xffff;
	v61 =	vmul.f32 v37, v50;
	v0 =	vmul.f32 v39, v0  }
0xbf: {  	v49 =	vld.idx.msk [tilespmem:v63+s20+$0x0], $0xffff;
	v2 =	vadd.f32 v5, v2;
	v5 =	vmul.f32 v26, v60;
	v3 =	vadd.f32 v3, v57  }
0xc0: {  	v53 =	vld.idx.msk [tilespmem:v63+s16+$0x0], $0xffff;
	v62 =	vmul.f32 v34, v6;
	v34 =	vmul.f32 v34, v50  }
0xc1: {  	v26 =	vld.idx.msk [tilespmem:v63+s18+$0x0], $0xffff;
	v0 =	vsub.f32 v52, v0;
	v2 =	vadd.f32 v2, v5;
	v3 =	vmul.f32 v3, v51  }
0xc2: {  	v6 =	vmul.f32 v37, v6;
	v55 =	vmul.f32 v59, v9;
	v5 =	vld.idx.msk [tilespmem:v63+s19+$0x0], $0xffff  }
0xc3: {  	v63 =	vld.idx.msk [tilespmem:v63+s17+$0x0], $0xffff;
	v0 =	vmul.f32 v0, v45;
	v2 =	vadd.f32 v3, v2;
	v3 =	vadd.f32 v62, v61  }
0xc4: {  	v39 =	vld.idx.msk [tilespmem:v56+s18+$0x0], $0xffff;
	v9 =	vmul.f32 v36, v9;
	v52 =	vmul.f32 v36, v58  }
0xc5: {  	v57 =	vld.idx.msk [tilespmem:v56+s16+$0x0], $0xffff;
	v0 =	vadd.f32 v2, v0;
	v2 =	vmul.f32 v3, v46;
	v3 =	vsub.f32 v34, v6  }
0xc6: {  	v58 =	vmul.f32 v59, v58;
	v59 =	vld.idx.msk [tilespmem:v56+s17+$0x0], $0xffff;
	v60 =	vmul.f32 v26, v53  }
0xc7: {  	v6 =	vld.idx.msk [tilespmem:v56+s19+$0x0], $0xffff;
	v0 =	vadd.f32 v2, v0;
	v1 =	vmul.f32 v3, v1;
	v2 =	vadd.f32 v55, v52  }
0xc8: {  	v62 =	vld.idx.msk [tilespmem:v42+s16+$0x0], $0xffff;
	v61 =	vmul.f32 v5, v63;
	v26 =	vmul.f32 v26, v63  }
0xc9: {  	v63 =	vld.idx.msk [tilespmem:v42+s17+$0x0], $0xffff;
	v0 =	vadd.f32 v0, v1;
	v1 =	vmul.f32 v2, v47;
	v2 =	vsub.f32 v58, v9  }
0xca: {  	v5 =	vmul.f32 v5, v53;
	v3 =	vld.idx.msk [tilespmem:v42+s18+$0x0], $0xffff  }
0xcb: {  	v9 =	vld.idx.msk [tilespmem:v42+s19+$0x0], $0xffff;
	v0 =	vadd.f32 v1, v0;
	v1 =	vmul.f32 v2, v38;
	v2 =	vadd.f32 v61, v60  }
0xcc: {  	v48 =	vmul.f32 v39, v57;
	v52 =	vld.idx.msk [tilespmem:v33+s16+$0x0], $0xffff;
	v51 =	vmul.f32 v6, v59  }
0xcd: {  	v47 =	vld.idx.msk [tilespmem:v33+s18+$0x0], $0xffff;
	v0 =	vadd.f32 v0, v1;
	v1 =	vmul.f32 v2, v49;
	v2 =	vsub.f32 v5, v26  }
0xce: {  	v6 =	vmul.f32 v6, v57;
	v5 =	vld.idx.msk [tilespmem:v33+s19+$0x0], $0xffff;
	v26 =	vmul.f32 v39, v59  }
0xcf: {  	v33 =	vld.idx.msk [tilespmem:v33+s17+$0x0], $0xffff;
	v0 =	vadd.f32 v1, v0;
	v1 =	vmul.f32 v2, v40;
	v2 =	vadd.f32 v51, v48  }
0xd0: {  	v56 =	vld.idx.msk [tilespmem:v28+s16+$0x0], $0xffff;
	v54 =	vmul.f32 v3, v62;
	v55 =	vmul.f32 v9, v63  }
0xd1: {  	v53 =	vld.idx.msk [tilespmem:v28+s18+$0x0], $0xffff;
	v0 =	vadd.f32 v0, v1;
	v1 =	vmul.f32 v2, v41;
	v2 =	vsub.f32 v6, v26  }
0xd2: {  	v3 =	vmul.f32 v3, v63;
	v9 =	vmul.f32 v9, v62;
	v6 =	vld.idx.msk [tilespmem:v28+s19+$0x0], $0xffff  }
0xd3: {  	v26 =	vld.idx.msk [tilespmem:v28+s17+$0x0], $0xffff;
	v0 =	vadd.f32 v1, v0;
	v1 =	vmul.f32 v2, v35;
	v2 =	vadd.f32 v55, v54  }
0xd4: {  	v59 =	vld.idx.msk [tilespmem:v25+s16+$0x0], $0xffff;
	v57 =	vmul.f32 v47, v52;
	v58 =	vmul.f32 v5, v33  }
0xd5: {  	v28 =	vld.idx.msk [tilespmem:v25+s18+$0x0], $0xffff;
	v0 =	vadd.f32 v0, v1;
	v1 =	vmul.f32 v2, v27;
	v2 =	vsub.f32 v9, v3  }
0xd6: {  	v5 =	vmul.f32 v5, v52;
	v3 =	vld.idx.msk [tilespmem:v25+s19+$0x0], $0xffff;
	v9 =	vmul.f32 v47, v33  }
0xd7: {  	v25 =	vld.idx.msk [tilespmem:v25+s17+$0x0], $0xffff;
	v0 =	vadd.f32 v1, v0;
	v1 =	vmul.f32 v2, v32;
	v2 =	vadd.f32 v58, v57  }
0xd8: {  	v60 =	vmul.f32 v53, v56;
	v62 =	vld.idx.msk [tilespmem:v22+s16+$0x0], $0xffff;
	v61 =	vmul.f32 v6, v26  }
0xd9: {  	v27 =	vld.idx.msk [tilespmem:v22+s18+$0x0], $0xffff;
	v0 =	vadd.f32 v0, v1;
	v1 =	vmul.f32 v2, v29;
	v2 =	vsub.f32 v5, v9  }
0xda: {  	v6 =	vmul.f32 v6, v56;
	v5 =	vld.idx.msk [tilespmem:v22+s19+$0x0], $0xffff;
	v9 =	vmul.f32 v53, v26  }
0xdb: {  	v22 =	vld.idx.msk [tilespmem:v22+s17+$0x0], $0xffff;
	v0 =	vadd.f32 v1, v0;
	v1 =	vmul.f32 v2, v31;
	v2 =	vadd.f32 v61, v60  }
0xdc: {  	v63 =	vld.idx.msk [tilespmem:v19+s16+$0x0], $0xffff;
	v29 =	vmul.f32 v28, v59;
	v31 =	vmul.f32 v3, v25  }
0xdd: {  	v26 =	vld.idx.msk [tilespmem:v19+s18+$0x0], $0xffff;
	v0 =	vadd.f32 v0, v1;
	v1 =	vmul.f32 v2, v30;
	v2 =	vsub.f32 v6, v9  }
0xde: {  	v13 =	vor.u32 $0x1A, v4;
	v3 =	vmul.f32 v3, v59;
	v6 =	vld.idx.msk [tilespmem:v19+s19+$0x0], $0xffff;
	v9 =	vmul.f32 v28, v25  }
0xdf: {  	v19 =	vld.idx.msk [tilespmem:v19+s17+$0x0], $0xffff;
	v0 =	vadd.f32 v1, v0;
	v1 =	vmul.f32 v2, v24;
	v2 =	vadd.f32 v31, v29  }
0xe0: {  	v25 =	vmul.f32 v27, v62;
	v28 =	vmul.f32 v5, v22;
	v24 =	vld.idx.msk [tilespmem:v14+s18+$0x0], $0xffff  }
0xe1: {  	v29 =	vld.idx.msk [tilespmem:v14+s16+$0x0], $0xffff;
	v0 =	vadd.f32 v0, v1;
	v1 =	vmul.f32 v2, v23;
	v2 =	vsub.f32 v3, v9  }
0xe2: {  	v5 =	vmul.f32 v5, v62;
	v3 =	vld.idx.msk [tilespmem:v14+s19+$0x0], $0xffff;
	v9 =	vmul.f32 v27, v22  }
0xe3: {  	v14 =	vld.idx.msk [tilespmem:v14+s17+$0x0], $0xffff;
	v0 =	vadd.f32 v1, v0;
	v1 =	vmul.f32 v2, v21;
	v2 =	vadd.f32 v28, v25  }
0xe4: {  	v22 =	vmul.f32 v26, v63;
	v23 =	vmul.f32 v6, v19;
	v21 =	vld.idx.msk [tilespmem:v13+s18+$0x0], $0xffff  }
0xe5: {  	v25 =	vld.idx.msk [tilespmem:v13+s16+$0x0], $0xffff;
	v0 =	vadd.f32 v0, v1;
	v1 =	vmul.f32 v2, v7;
	v2 =	vsub.f32 v5, v9  }
0xe6: {  	v6 =	vmul.f32 v6, v63;
	v5 =	vld.idx.msk [tilespmem:v13+s19+$0x0], $0xffff;
	v7 =	vmul.f32 v26, v19  }
0xe7: {  	v9 =	vld.idx.msk [tilespmem:v13+s17+$0x0], $0xffff;
	v0 =	vadd.f32 v1, v0;
	v1 =	vmul.f32 v2, v18;
	v2 =	vadd.f32 v23, v22  }
0xe8: {  	v19 =	vmul.f32 v3, v14;
	v18 =	vmul.f32 v24, v29  }
0xe9: {  	v0 =	vadd.f32 v0, v1;
	v1 =	vmul.f32 v2, v17;
	v2 =	vsub.f32 v6, v7  }
0xea: {  	v3 =	vmul.f32 v3, v29;
	v7 =	vmul.f32 v24, v14  }
0xeb: {  	v0 =	vadd.f32 v1, v0;
	v1 =	vmul.f32 v2, v16;
	v2 =	vadd.f32 v19, v18  }
0xec: {  	v11 =	vld.idx.msk [tilespmem:v13+s20+$0x0], $0xffff;
	v17 =	vmul.f32 v5, v9;
	v16 =	vmul.f32 v21, v25  }
0xed: {  	v44 =	vld.idx.msk [tilespmem:v13+s21+$0x0], $0xffff;
	v0 =	vadd.f32 v0, v1;
	v1 =	vmul.f32 v2, v8;
	v2 =	vsub.f32 v3, v7  }
0xee: {  	v13 =	vld.idx.msk [tilespmem:v10+s18+$0x0], $0xffff;
	v5 =	vmul.f32 v5, v25;
	v7 =	vmul.f32 v21, v9  }
0xef: {  	v22 =	vld.idx.msk [tilespmem:v10+s16+$0x0], $0xffff;
	v0 =	vadd.f32 v1, v0;
	v1 =	vmul.f32 v2, v12;
	v2 =	vadd.f32 v17, v16  }
0xf0: {  	v6 =	vld.idx.msk [tilespmem:v10+s19+$0x0], $0xffff  }
0xf1: {  	v10 =	vld.idx.msk [tilespmem:v10+s17+$0x0], $0xffff;
	v0 =	vadd.f32 v0, v1;
	v1 =	vmul.f32 v2, v11;
	v2 =	vsub.f32 v5, v7  }
0xf2: {  	v14 =	vld.idx.msk [tilespmem:v15+s18+$0x0], $0xffff  }
0xf3: {  	v18 =	vld.idx.msk [tilespmem:v15+s16+$0x0], $0xffff;
	v0 =	vadd.f32 v1, v0;
	v1 =	vmul.f32 v2, v44  }
0xf4: {  	v3 =	vld.idx.msk [tilespmem:v15+s19+$0x0], $0xffff  }
0xf5: {  	v0 =	vadd.f32 v0, v1;
	v1 =	vld [tilespmem:$0x1FD50]  }
0xf6: {  	v9 =	vld.idx.msk [tilespmem:v15+s17+$0x0], $0xffff;
	v15 =	vmul.f32 v13, v22;
	v16 =	vmul.f32 v6, v10;
	_ =	sdelay $0x1  }
0xf7: {  	v2 =	vadd.f32 v16, v15;
	_ =	sdelay $0x1  }
0xf8: {  	v1 =	vmul.f32 v2, v1;
	_ =	sdelay $0x1  }
0xf9: {  	v0 =	vadd.f32 v1, v0;
	v1 =	vld [tilespmem:$0x1FD60]  }
0xfa: {  	v6 =	vmul.f32 v6, v22;
	v7 =	vmul.f32 v13, v10;
	_ =	sdelay $0x1  }
0xfb: {  	v2 =	vsub.f32 v6, v7;
	_ =	sdelay $0x1  }
0xfc: {  	v1 =	vmul.f32 v2, v1;
	_ =	sdelay $0x1  }
0xfd: {  	v0 =	vadd.f32 v0, v1;
	v1 =	vld [tilespmem:$0x1FD70]  }
0xfe: {  	v13 =	vmul.f32 v14, v18;
	v15 =	vmul.f32 v3, v9;
	_ =	sdelay $0x1  }
0xff: {  	v2 =	vadd.f32 v15, v13;
	_ =	sdelay $0x1  }
0x100: {  	v1 =	vmul.f32 v2, v1  }
0x101: {  	v12 =	vld.idx.msk [tilespmem:v20+s18+$0x0], $0xffff  }
0x102: {  	v0 =	vadd.f32 v1, v0;
	v1 =	vld [tilespmem:$0x1FD80]  }
0x103: {  	v8 =	vor.u32 $0x1E, v4;
	v17 =	vld.idx.msk [tilespmem:v20+s16+$0x0], $0xffff;
	v3 =	vmul.f32 v3, v18;
	v7 =	vmul.f32 v14, v9  }
0x104: {  	v5 =	vld.idx.msk [tilespmem:v20+s19+$0x0], $0xffff  }
0x105: {  	v10 =	vld.idx.msk [tilespmem:v20+s17+$0x0], $0xffff;
	v2 =	vsub.f32 v3, v7  }
0x106: {  	v4 =	vor.u32 $0x1F, v4  }
0x107: {  	v1 =	vmul.f32 v2, v1  }
0x108: {  	v11 =	vld.idx.msk [tilespmem:v8+s18+$0x0], $0xffff  }
0x109: {  	v0 =	vadd.f32 v0, v1;
	v1 =	vld [tilespmem:$0x1FD90]  }
0x10a: {  	v16 =	vld.idx.msk [tilespmem:v8+s16+$0x0], $0xffff;
	v14 =	vmul.f32 v12, v17;
	v15 =	vmul.f32 v5, v10  }
0x10b: {  	v18 =	vld.idx.msk [tilespmem:v4+s16+$0x0], $0xffff  }
0x10c: {  	v6 =	vld.idx.msk [tilespmem:v8+s19+$0x0], $0xffff;
	v2 =	vadd.f32 v15, v14  }
0x10d: {  	v9 =	vld.idx.msk [tilespmem:v8+s17+$0x0], $0xffff  }
0x10e: {  	v13 =	vld.idx.msk [tilespmem:v4+s18+$0x0], $0xffff;
	v1 =	vmul.f32 v2, v1  }
0x10f: {  	v3 =	vld.idx.msk [tilespmem:v4+s19+$0x0], $0xffff  }
0x110: {  	v0 =	vadd.f32 v1, v0;
	v1 =	vld [tilespmem:$0x1FDA0]  }
0x111: {  	v5 =	vmul.f32 v5, v17;
	v7 =	vmul.f32 v12, v10;
	v10 =	vld.idx.msk [tilespmem:v4+s17+$0x0], $0xffff  }
0x112: {  	v12 =	vld.idx.msk [tilespmem:v8+s20+$0x0], $0xffff  }
0x113: {  	v14 =	vmul.f32 v11, v16;
	v15 =	vmul.f32 v6, v9;
	v2 =	vsub.f32 v5, v7  }
0x114: {  	v6 =	vmul.f32 v6, v16;
	v5 =	vld.idx.msk [tilespmem:v8+s21+$0x0], $0xffff  }
0x115: {  	v7 =	vmul.f32 v11, v9;
	v1 =	vmul.f32 v2, v1;
	v2 =	vadd.f32 v15, v14  }
0x116: {  	v8 =	vld.idx.msk [tilespmem:v4+s20+$0x0], $0xffff;
	v9 =	vmul.f32 v13, v18;
	v11 =	vmul.f32 v3, v10  }
0x117: {  	v0 =	vadd.f32 v0, v1;
	v1 =	vmul.f32 v2, v12;
	v2 =	vsub.f32 v6, v7  }
0x118: {  	v3 =	vmul.f32 v3, v18;
	v7 =	vmul.f32 v13, v10  }
0x119: {  	v0 =	vadd.f32 v1, v0;
	v1 =	vmul.f32 v2, v5;
	v2 =	vadd.f32 v11, v9;
	_ =	sdelay $0x1  }
0x11a: {  	v0 =	vadd.f32 v0, v1;
	v1 =	vmul.f32 v2, v8;
	v2 =	vsub.f32 v3, v7;
	v3 =	vld [tilespmem:$0x1FFF0]  }
0x11b: {  	v4 =	vld.idx.msk [tilespmem:v4+s21+$0x0], $0xffff  }
0x11c: {  	s28 =	simm.s32 $0x10  }
0x11d: {  	v6 =	vmov s28  }
0x11e: {  	v5 =	vshll.u32 v6, $0x5  }
0x11f: {  	v5 =	vor.u32 v3, v5  }
0x120: {  	v0 =	vadd.f32 v1, v0;
	v1 =	vmul.f32 v2, v4;
	v9 =	vor.u32 $0x1C, v5;
	_ =	sdelay $0x1  }
0x121: {  	v0 =	vadd.f32 v0, v1  }
0x122: {  	s28 =	simm.s32 $0x6180  }
0x123: {  	[tilespmem:s28+$0x0] =	vst v0  }
0x124: {  	v0 =	vld.idx.msk [tilespmem:v9+s21+$0x0], $0xffff;
	_ =	sdelay $0x4  }
0x125: {  	v12 =	vor.u32 $0x1B, v5;
	[tilespmem:$0x1FDC0] =	vst v0;
	v0 =	vld.idx.msk [tilespmem:v9+s20+$0x0], $0xffff;
	_ =	sdelay $0x4  }
0x126: {  	[tilespmem:$0x1FDD0] =	vst v0;
	v0 =	vld.idx.msk [tilespmem:v12+s21+$0x0], $0xffff;
	_ =	sdelay $0x4  }
0x127: {  	v15 =	vor.u32 $0x1A, v5;
	[tilespmem:$0x1FDE0] =	vst v0;
	v0 =	vld.idx.msk [tilespmem:v12+s20+$0x0], $0xffff;
	_ =	sdelay $0x4  }
0x128: {  	[tilespmem:$0x1FDF0] =	vst v0;
	v0 =	vld.idx.msk [tilespmem:v15+s21+$0x0], $0xffff;
	_ =	sdelay $0x4  }
0x129: {  	v18 =	vor.u32 $0x19, v5;
	[tilespmem:$0x1FE00] =	vst v0;
	v0 =	vld.idx.msk [tilespmem:v15+s20+$0x0], $0xffff;
	_ =	sdelay $0x4  }
0x12a: {  	[tilespmem:$0x1FE10] =	vst v0;
	v0 =	vld.idx.msk [tilespmem:v18+s21+$0x0], $0xffff;
	_ =	sdelay $0x4  }
0x12b: {  	v21 =	vor.u32 $0x18, v5;
	[tilespmem:$0x1FE20] =	vst v0;
	v0 =	vld.idx.msk [tilespmem:v18+s20+$0x0], $0xffff;
	_ =	sdelay $0x4  }
0x12c: {  	[tilespmem:$0x1FE30] =	vst v0;
	v0 =	vld.idx.msk [tilespmem:v21+s21+$0x0], $0xffff;
	_ =	sdelay $0x4  }
0x12d: {  	v24 =	vor.u32 $0x17, v5;
	[tilespmem:$0x1FE40] =	vst v0;
	v0 =	vld.idx.msk [tilespmem:v21+s20+$0x0], $0xffff;
	_ =	sdelay $0x4  }
0x12e: {  	[tilespmem:$0x1FE50] =	vst v0;
	v0 =	vld.idx.msk [tilespmem:v24+s21+$0x0], $0xffff;
	_ =	sdelay $0x4  }
0x12f: {  	v27 =	vor.u32 $0x16, v5;
	[tilespmem:$0x1FE60] =	vst v0;
	v0 =	vld.idx.msk [tilespmem:v24+s20+$0x0], $0xffff;
	_ =	sdelay $0x4  }
0x130: {  	[tilespmem:$0x1FE70] =	vst v0;
	v0 =	vld.idx.msk [tilespmem:v27+s21+$0x0], $0xffff;
	_ =	sdelay $0x4  }
0x131: {  	v30 =	vor.u32 $0x15, v5;
	[tilespmem:$0x1FE80] =	vst v0;
	v0 =	vld.idx.msk [tilespmem:v27+s20+$0x0], $0xffff;
	_ =	sdelay $0x4  }
0x132: {  	[tilespmem:$0x1FE90] =	vst v0;
	v0 =	vld.idx.msk [tilespmem:v30+s21+$0x0], $0xffff;
	_ =	sdelay $0x4  }
0x133: {  	v33 =	vor.u32 $0x14, v5;
	[tilespmem:$0x1FEA0] =	vst v0;
	v0 =	vld.idx.msk [tilespmem:v30+s20+$0x0], $0xffff;
	_ =	sdelay $0x4  }
0x134: {  	[tilespmem:$0x1FEB0] =	vst v0;
	v0 =	vld.idx.msk [tilespmem:v33+s21+$0x0], $0xffff;
	_ =	sdelay $0x4  }
0x135: {  	v36 =	vor.u32 $0x13, v5;
	[tilespmem:$0x1FEC0] =	vst v0;
	v0 =	vld.idx.msk [tilespmem:v33+s20+$0x0], $0xffff;
	_ =	sdelay $0x4  }
0x136: {  	[tilespmem:$0x1FED0] =	vst v0;
	v0 =	vld.idx.msk [tilespmem:v36+s21+$0x0], $0xffff;
	_ =	sdelay $0x4  }
0x137: {  	v39 =	vor.u32 $0x12, v5;
	[tilespmem:$0x1FEE0] =	vst v0;
	v0 =	vld.idx.msk [tilespmem:v36+s20+$0x0], $0xffff;
	_ =	sdelay $0x4  }
0x138: {  	[tilespmem:$0x1FEF0] =	vst v0;
	v0 =	vld.idx.msk [tilespmem:v39+s21+$0x0], $0xffff;
	_ =	sdelay $0x4  }
0x139: {  	v42 =	vor.u32 $0x11, v5;
	[tilespmem:$0x1FF00] =	vst v0;
	v0 =	vld.idx.msk [tilespmem:v39+s20+$0x0], $0xffff;
	_ =	sdelay $0x4  }
0x13a: {  	[tilespmem:$0x1FF10] =	vst v0;
	v0 =	vld.idx.msk [tilespmem:v42+s21+$0x0], $0xffff;
	_ =	sdelay $0x4  }
0x13b: {  	v45 =	vor.u32 $0x10, v5;
	[tilespmem:$0x1FF20] =	vst v0;
	v0 =	vld.idx.msk [tilespmem:v42+s20+$0x0], $0xffff;
	_ =	sdelay $0x4  }
0x13c: {  	[tilespmem:$0x1FF30] =	vst v0;
	v0 =	vld.idx.msk [tilespmem:v45+s21+$0x0], $0xffff;
	_ =	sdelay $0x4  }
0x13d: {  	v48 =	vor.u32 $0xF, v5;
	[tilespmem:$0x1FF40] =	vst v0;
	v0 =	vld.idx.msk [tilespmem:v45+s20+$0x0], $0xffff;
	_ =	sdelay $0x4  }
0x13e: {  	[tilespmem:$0x1FF50] =	vst v0;
	v0 =	vld.idx.msk [tilespmem:v48+s21+$0x0], $0xffff;
	_ =	sdelay $0x4  }
0x13f: {  	v51 =	vor.u32 $0xE, v5;
	[tilespmem:$0x1FF60] =	vst v0;
	v0 =	vld.idx.msk [tilespmem:v48+s20+$0x0], $0xffff;
	_ =	sdelay $0x4  }
0x140: {  	[tilespmem:$0x1FF70] =	vst v0;
	v0 =	vld.idx.msk [tilespmem:v51+s21+$0x0], $0xffff;
	_ =	sdelay $0x2  }
0x141: {  	v3 =	vor.u32 $0x1D, v5;
	_ =	sdelay $0x1  }
0x142: {  	v54 =	vor.u32 $0xD, v5;
	[tilespmem:$0x1FF80] =	vst v0;
	v0 =	vld.idx.msk [tilespmem:v51+s20+$0x0], $0xffff  }
0x143: {  	v60 =	vor.u32 $0xB, v5  }
0x144: {  	v63 =	vor.u32 $0xA, v5  }
0x145: {  	v53 =	vld.idx.msk [tilespmem:v3+s21+$0x0], $0xffff  }
0x146: {  	v2 =	vor.u32 $0x9, v5;
	v55 =	vld.idx.msk [tilespmem:v3+s20+$0x0], $0xffff  }
0x147: {  	[tilespmem:$0x1FF90] =	vst v0;
	v0 =	vld.idx.msk [tilespmem:v54+s21+$0x0], $0xffff  }
0x148: {  	v56 =	vld.idx.msk [tilespmem:v60+s20+$0x0], $0xffff  }
0x149: {  	v7 =	vor.u32 $0x8, v5;
	v58 =	vld.idx.msk [tilespmem:v63+s21+$0x0], $0xffff  }
0x14a: {  	v11 =	vor.u32 $0x7, v5;
	v59 =	vld.idx.msk [tilespmem:v63+s20+$0x0], $0xffff  }
0x14b: {  	v61 =	vld.idx.msk [tilespmem:v2+s21+$0x0], $0xffff  }
0x14c: {  	v57 =	vor.u32 $0xC, v5;
	[tilespmem:$0x1FFA0] =	vst v0;
	v0 =	vld.idx.msk [tilespmem:v54+s20+$0x0], $0xffff  }
0x14d: {  	v16 =	vor.u32 $0x6, v5;
	v62 =	vld.idx.msk [tilespmem:v2+s20+$0x0], $0xffff  }
0x14e: {  	v1 =	vld.idx.msk [tilespmem:v7+s20+$0x0], $0xffff  }
0x14f: {  	v20 =	vor.u32 $0x5, v5;
	[tilespmem:$0x1FDB0] =	vst v3;
	v3 =	vld.idx.msk [tilespmem:v11+s21+$0x0], $0xffff  }
0x150: {  	v4 =	vld.idx.msk [tilespmem:v11+s20+$0x0], $0xffff  }
0x151: {  	[tilespmem:$0x1FFB0] =	vst v0;
	v0 =	vld.idx.msk [tilespmem:v57+s21+$0x0], $0xffff  }
0x152: {  	v25 =	vor.u32 $0x4, v5;
	v8 =	vld.idx.msk [tilespmem:v16+s21+$0x0], $0xffff  }
0x153: {  	v10 =	vld.idx.msk [tilespmem:v16+s20+$0x0], $0xffff  }
0x154: {  	v29 =	vor.u32 $0x3, v5;
	v13 =	vld.idx.msk [tilespmem:v20+s21+$0x0], $0xffff  }
0x155: {  	v14 =	vld.idx.msk [tilespmem:v20+s20+$0x0], $0xffff  }
0x156: {  	[tilespmem:$0x1FFC0] =	vst v0;
	v0 =	vld.idx.msk [tilespmem:v57+s20+$0x0], $0xffff  }
0x157: {  	v34 =	vor.u32 $0x2, v5;
	v17 =	vld.idx.msk [tilespmem:v25+s21+$0x0], $0xffff  }
0x158: {  	v19 =	vld.idx.msk [tilespmem:v25+s20+$0x0], $0xffff  }
0x159: {  	v35 =	vor.u32 $0x1, v5;
	v22 =	vld.idx.msk [tilespmem:v29+s21+$0x0], $0xffff  }
0x15a: {  	v23 =	vld.idx.msk [tilespmem:v29+s20+$0x0], $0xffff  }
0x15b: {  	[tilespmem:$0x1FFD0] =	vst v0;
	v0 =	vld.idx.msk [tilespmem:v60+s21+$0x0], $0xffff  }
0x15c: {  	v26 =	vld.idx.msk [tilespmem:v34+s21+$0x0], $0xffff  }
0x15d: {  	v28 =	vld.idx.msk [tilespmem:v34+s20+$0x0], $0xffff  }
0x15e: {  	v31 =	vld.idx.msk [tilespmem:v35+s21+$0x0], $0xffff  }
0x15f: {  	v32 =	vld.idx.msk [tilespmem:v35+s20+$0x0], $0xffff  }
0x160: {  	s29 =	simm.s32 $0x20;
	[tilespmem:$0x1FFE0] =	vst v0;
	v0 =	vld.idx.msk [tilespmem:v7+s21+$0x0], $0xffff  }
.LBB2_3:
0x161: {  	v37 =	vld.idx.msk [tilespmem:v5+s21+$0x0], $0xffff  }
0x162: {  	v38 =	vld.idx.msk [tilespmem:v5+s20+$0x0], $0xffff  }
0x163: {  	v40 =	vld.idx.msk [tilespmem:v34+s18+$0x0], $0xffff  }
0x164: {  	v41 =	vld.idx.msk [tilespmem:v5+s18+$0x0], $0xffff  }
0x165: {  	v43 =	vld.idx.msk [tilespmem:v5+s16+$0x0], $0xffff  }
0x166: {  	v44 =	vld.idx.msk [tilespmem:v5+s19+$0x0], $0xffff  }
0x167: {  	v46 =	vld.idx.msk [tilespmem:v5+s17+$0x0], $0xffff  }
0x168: {  	v47 =	vld.idx.msk [tilespmem:v35+s18+$0x0], $0xffff  }
0x169: {  	v49 =	vld.idx.msk [tilespmem:v35+s16+$0x0], $0xffff  }
0x16a: {  	v50 =	vld.idx.msk [tilespmem:v35+s19+$0x0], $0xffff  }
0x16b: {  	v35 =	vld.idx.msk [tilespmem:v35+s17+$0x0], $0xffff;
	[tilespmem:$0x1FD10] =	vst v55  }
0x16c: {  	v52 =	vld.idx.msk [tilespmem:v34+s16+$0x0], $0xffff;
	[tilespmem:$0x1FD20] =	vst v53;
	v53 =	vmul.f32 v41, v43;
	v55 =	vmul.f32 v44, v46  }
0x16d: {  	v6 =	vld.idx.msk [tilespmem:v34+s19+$0x0], $0xffff  }
0x16e: {  	v34 =	vld.idx.msk [tilespmem:v34+s17+$0x0], $0xffff;
	v43 =	vmul.f32 v44, v43;
	v41 =	vmul.f32 v41, v46;
	v53 =	vadd.f32 v55, v53  }
0x16f: {  	v44 =	vld.idx.msk [tilespmem:v29+s18+$0x0], $0xffff;
	v46 =	vmul.f32 v47, v49  }
0x170: {  	v55 =	vld.idx.msk [tilespmem:v29+s16+$0x0], $0xffff;
	v41 =	vsub.f32 v43, v41;
	v43 =	vmul.f32 v50, v35;
	v38 =	vmul.f32 v53, v38  }
0x171: {  	v49 =	vmul.f32 v50, v49;
	v35 =	vmul.f32 v47, v35;
	v50 =	vld.idx.msk [tilespmem:v25+s16+$0x0], $0xffff  }
0x172: {  	v53 =	vld.idx.msk [tilespmem:v29+s19+$0x0], $0xffff;
	v37 =	vmul.f32 v41, v37;
	v41 =	vadd.f32 v43, v46;
	v38 =	vadd.f32 $0.0e+00, v38  }
0x173: {  	v47 =	vmul.f32 v6, v34;
	v29 =	vld.idx.msk [tilespmem:v29+s17+$0x0], $0xffff;
	v46 =	vmul.f32 v40, v52  }
0x174: {  	v43 =	vld.idx.msk [tilespmem:v25+s18+$0x0], $0xffff;
	v35 =	vsub.f32 v49, v35;
	v32 =	vmul.f32 v41, v32;
	v37 =	vadd.f32 v38, v37  }
0x175: {  	v6 =	vmul.f32 v6, v52;
	v34 =	vmul.f32 v40, v34;
	v38 =	vld.idx.msk [tilespmem:v25+s19+$0x0], $0xffff  }
0x176: {  	v31 =	vmul.f32 v35, v31;
	v49 =	vadd.f32 v47, v46;
	v25 =	vld.idx.msk [tilespmem:v25+s17+$0x0], $0xffff;
	v32 =	vadd.f32 v32, v37  }
0x177: {  	v6 =	vsub.f32 v6, v34;
	v46 =	vld.idx.msk [tilespmem:v20+s16+$0x0], $0xffff;
	v40 =	vmul.f32 v44, v55  }
0x178: {  	v28 =	vmul.f32 v49, v28;
	v41 =	vmul.f32 v53, v29;
	v37 =	vld.idx.msk [tilespmem:v20+s18+$0x0], $0xffff;
	v31 =	vadd.f32 v32, v31  }
0x179: {  	v6 =	vmul.f32 v6, v26;
	v49 =	vmul.f32 v53, v55;
	v32 =	vld.idx.msk [tilespmem:v20+s19+$0x0], $0xffff  }
0x17a: {  	v29 =	vmul.f32 v44, v29;
	v26 =	vadd.f32 v41, v40;
	v20 =	vld.idx.msk [tilespmem:v20+s17+$0x0], $0xffff;
	v28 =	vadd.f32 v28, v31  }
0x17b: {  	v53 =	vmul.f32 v43, v50;
	v44 =	vld.idx.msk [tilespmem:v16+s16+$0x0], $0xffff;
	v55 =	vmul.f32 v38, v25  }
0x17c: {  	v23 =	vmul.f32 v26, v23;
	v26 =	vsub.f32 v49, v29;
	v31 =	vld.idx.msk [tilespmem:v16+s18+$0x0], $0xffff;
	v6 =	vadd.f32 v28, v6  }
0x17d: {  	v29 =	vmul.f32 v38, v50;
	v25 =	vmul.f32 v43, v25;
	v28 =	vld.idx.msk [tilespmem:v16+s19+$0x0], $0xffff  }
0x17e: {  	v22 =	vmul.f32 v26, v22;
	v16 =	vld.idx.msk [tilespmem:v16+s17+$0x0], $0xffff;
	v6 =	vadd.f32 v23, v6;
	v23 =	vadd.f32 v55, v53  }
0x17f: {  	v50 =	vld.idx.msk [tilespmem:v11+s16+$0x0], $0xffff;
	v47 =	vmul.f32 v37, v46;
	v49 =	vmul.f32 v32, v20  }
0x180: {  	v26 =	vld.idx.msk [tilespmem:v11+s18+$0x0], $0xffff;
	v6 =	vadd.f32 v6, v22;
	v19 =	vmul.f32 v23, v19;
	v22 =	vsub.f32 v29, v25  }
0x181: {  	v20 =	vmul.f32 v37, v20;
	v23 =	vld.idx.msk [tilespmem:v11+s19+$0x0], $0xffff;
	v25 =	vmul.f32 v32, v46  }
0x182: {  	v11 =	vld.idx.msk [tilespmem:v11+s17+$0x0], $0xffff;
	v6 =	vadd.f32 v19, v6;
	v17 =	vmul.f32 v22, v17;
	v19 =	vadd.f32 v49, v47  }
0x183: {  	v55 =	vld.idx.msk [tilespmem:v7+s16+$0x0], $0xffff;
	v29 =	vmul.f32 v31, v44;
	v53 =	vmul.f32 v28, v16  }
0x184: {  	v22 =	vld.idx.msk [tilespmem:v7+s18+$0x0], $0xffff;
	v6 =	vadd.f32 v6, v17;
	v14 =	vmul.f32 v19, v14;
	v17 =	vsub.f32 v25, v20  }
0x185: {  	v16 =	vmul.f32 v31, v16;
	v19 =	vld.idx.msk [tilespmem:v7+s19+$0x0], $0xffff;
	v20 =	vmul.f32 v28, v44  }
0x186: {  	v7 =	vld.idx.msk [tilespmem:v7+s17+$0x0], $0xffff;
	v6 =	vadd.f32 v14, v6;
	v13 =	vmul.f32 v17, v13;
	v14 =	vadd.f32 v53, v29  }
0x187: {  	v25 =	vmul.f32 v26, v50;
	v28 =	vmul.f32 v23, v11;
	v17 =	vld.idx.msk [tilespmem:v2+s18+$0x0], $0xffff  }
0x188: {  	v29 =	vld.idx.msk [tilespmem:v2+s16+$0x0], $0xffff;
	v6 =	vadd.f32 v6, v13;
	v10 =	vmul.f32 v14, v10;
	v13 =	vsub.f32 v20, v16  }
0x189: {  	v11 =	vmul.f32 v26, v11;
	v14 =	vld.idx.msk [tilespmem:v2+s19+$0x0], $0xffff;
	v16 =	vmul.f32 v23, v50  }
0x18a: {  	v2 =	vld.idx.msk [tilespmem:v2+s17+$0x0], $0xffff;
	v6 =	vadd.f32 v10, v6;
	v8 =	vmul.f32 v13, v8;
	v10 =	vadd.f32 v28, v25  }
0x18b: {  	v20 =	vmul.f32 v22, v55;
	v23 =	vmul.f32 v19, v7;
	v13 =	vld.idx.msk [tilespmem:v63+s18+$0x0], $0xffff  }
0x18c: {  	v25 =	vld.idx.msk [tilespmem:v63+s16+$0x0], $0xffff;
	v6 =	vadd.f32 v6, v8;
	v4 =	vmul.f32 v10, v4;
	v8 =	vsub.f32 v16, v11  }
0x18d: {  	v7 =	vmul.f32 v22, v7;
	v10 =	vld.idx.msk [tilespmem:v63+s19+$0x0], $0xffff;
	v11 =	vmul.f32 v19, v55  }
0x18e: {  	v16 =	vld.idx.msk [tilespmem:v63+s17+$0x0], $0xffff;
	v4 =	vadd.f32 v4, v6;
	v3 =	vmul.f32 v8, v3;
	v6 =	vadd.f32 v23, v20  }
0x18f: {  	v22 =	vld.idx.msk [tilespmem:v60+s16+$0x0], $0xffff;
	v19 =	vmul.f32 v17, v29;
	v20 =	vmul.f32 v14, v2  }
0x190: {  	v8 =	vld.idx.msk [tilespmem:v60+s18+$0x0], $0xffff;
	v3 =	vadd.f32 v4, v3;
	v1 =	vmul.f32 v6, v1;
	v4 =	vsub.f32 v11, v7  }
0x191: {  	v2 =	vmul.f32 v17, v2;
	v6 =	vld.idx.msk [tilespmem:v60+s19+$0x0], $0xffff;
	v7 =	vmul.f32 v14, v29  }
0x192: {  	v11 =	vld.idx.msk [tilespmem:v60+s17+$0x0], $0xffff;
	v1 =	vadd.f32 v1, v3;
	v0 =	vmul.f32 v4, v0;
	v3 =	vadd.f32 v20, v19  }
0x193: {  	v14 =	vmul.f32 v13, v25;
	v17 =	vmul.f32 v10, v16  }
0x194: {  	v2 =	vsub.f32 v7, v2;
	v0 =	vadd.f32 v1, v0;
	v1 =	vmul.f32 v3, v62  }
0x195: {  	v7 =	vmul.f32 v10, v25;
	v10 =	vmul.f32 v13, v16  }
0x196: {  	v0 =	vadd.f32 v1, v0;
	v1 =	vmul.f32 v2, v61;
	v2 =	vadd.f32 v17, v14  }
0x197: {  	v16 =	vmul.f32 v8, v22;
	v17 =	vmul.f32 v6, v11  }
0x198: {  	v0 =	vadd.f32 v0, v1;
	v1 =	vmul.f32 v2, v59;
	v2 =	vsub.f32 v7, v10;
	_ =	sdelay $0x1  }
0x199: {  	v0 =	vadd.f32 v1, v0;
	v1 =	vmul.f32 v2, v58;
	v2 =	vadd.f32 v17, v16;
	_ =	sdelay $0x1  }
0x19a: {  	v0 =	vadd.f32 v0, v1;
	v1 =	vmul.f32 v2, v56  }
0x19b: {  	v4 =	vld.idx.msk [tilespmem:v57+s18+$0x0], $0xffff  }
0x19c: {  	v0 =	vadd.f32 v1, v0;
	v1 =	vld [tilespmem:$0x1FFE0]  }
0x19d: {  	v19 =	vld.idx.msk [tilespmem:v57+s16+$0x0], $0xffff;
	v8 =	vmul.f32 v8, v11;
	v6 =	vmul.f32 v6, v22  }
0x19e: {  	v13 =	vld.idx.msk [tilespmem:v57+s17+$0x0], $0xffff  }
0x19f: {  	v3 =	vld.idx.msk [tilespmem:v57+s19+$0x0], $0xffff;
	v2 =	vsub.f32 v6, v8;
	_ =	sdelay $0x1  }
0x1a0: {  	v1 =	vmul.f32 v2, v1;
	_ =	sdelay $0x1  }
0x1a1: {  	v0 =	vadd.f32 v0, v1;
	v1 =	vld [tilespmem:$0x1FFD0]  }
0x1a2: {  	v16 =	vmul.f32 v4, v19;
	v17 =	vmul.f32 v3, v13;
	_ =	sdelay $0x1  }
0x1a3: {  	v2 =	vadd.f32 v17, v16;
	_ =	sdelay $0x1  }
0x1a4: {  	v1 =	vmul.f32 v2, v1  }
0x1a5: {  	v20 =	vld.idx.msk [tilespmem:v54+s16+$0x0], $0xffff  }
0x1a6: {  	v0 =	vadd.f32 v1, v0;
	v1 =	vld [tilespmem:$0x1FFC0]  }
0x1a7: {  	v14 =	vld.idx.msk [tilespmem:v54+s18+$0x0], $0xffff;
	v3 =	vmul.f32 v3, v19;
	v4 =	vmul.f32 v4, v13  }
0x1a8: {  	v7 =	vld.idx.msk [tilespmem:v54+s19+$0x0], $0xffff  }
0x1a9: {  	v10 =	vld.idx.msk [tilespmem:v54+s17+$0x0], $0xffff;
	v2 =	vsub.f32 v3, v4;
	_ =	sdelay $0x1  }
0x1aa: {  	v1 =	vmul.f32 v2, v1;
	_ =	sdelay $0x1  }
0x1ab: {  	v0 =	vadd.f32 v0, v1;
	v1 =	vld [tilespmem:$0x1FFB0]  }
0x1ac: {  	v16 =	vmul.f32 v14, v20;
	v17 =	vmul.f32 v7, v10;
	_ =	sdelay $0x1  }
0x1ad: {  	v2 =	vadd.f32 v17, v16;
	_ =	sdelay $0x1  }
0x1ae: {  	v1 =	vmul.f32 v2, v1  }
0x1af: {  	v11 =	vld.idx.msk [tilespmem:v51+s18+$0x0], $0xffff  }
0x1b0: {  	v0 =	vadd.f32 v1, v0;
	v1 =	vld [tilespmem:$0x1FFA0]  }
0x1b1: {  	v22 =	vld.idx.msk [tilespmem:v51+s16+$0x0], $0xffff;
	v4 =	vmul.f32 v7, v20;
	v7 =	vmul.f32 v14, v10  }
0x1b2: {  	v6 =	vld.idx.msk [tilespmem:v51+s19+$0x0], $0xffff  }
0x1b3: {  	v8 =	vld.idx.msk [tilespmem:v51+s17+$0x0], $0xffff;
	v2 =	vsub.f32 v4, v7;
	_ =	sdelay $0x1  }
0x1b4: {  	v1 =	vmul.f32 v2, v1;
	_ =	sdelay $0x1  }
0x1b5: {  	v0 =	vadd.f32 v0, v1;
	v1 =	vld [tilespmem:$0x1FF90]  }
0x1b6: {  	v16 =	vmul.f32 v11, v22;
	v17 =	vmul.f32 v6, v8;
	_ =	sdelay $0x1  }
0x1b7: {  	v2 =	vadd.f32 v17, v16;
	_ =	sdelay $0x1  }
0x1b8: {  	v1 =	vmul.f32 v2, v1  }
0x1b9: {  	v13 =	vld.idx.msk [tilespmem:v48+s18+$0x0], $0xffff  }
0x1ba: {  	v0 =	vadd.f32 v1, v0;
	v1 =	vld [tilespmem:$0x1FF80]  }
0x1bb: {  	v19 =	vld.idx.msk [tilespmem:v48+s16+$0x0], $0xffff;
	v6 =	vmul.f32 v6, v22;
	v7 =	vmul.f32 v11, v8  }
0x1bc: {  	v3 =	vld.idx.msk [tilespmem:v48+s19+$0x0], $0xffff  }
0x1bd: {  	v10 =	vld.idx.msk [tilespmem:v48+s17+$0x0], $0xffff;
	v2 =	vsub.f32 v6, v7;
	_ =	sdelay $0x1  }
0x1be: {  	v1 =	vmul.f32 v2, v1;
	_ =	sdelay $0x1  }
0x1bf: {  	v0 =	vadd.f32 v0, v1;
	v1 =	vld [tilespmem:$0x1FF70]  }
0x1c0: {  	v16 =	vmul.f32 v13, v19;
	v17 =	vmul.f32 v3, v10;
	_ =	sdelay $0x1  }
0x1c1: {  	v2 =	vadd.f32 v17, v16;
	_ =	sdelay $0x1  }
0x1c2: {  	v1 =	vmul.f32 v2, v1  }
0x1c3: {  	v14 =	vld.idx.msk [tilespmem:v45+s18+$0x0], $0xffff  }
0x1c4: {  	v0 =	vadd.f32 v1, v0;
	v1 =	vld [tilespmem:$0x1FF60]  }
0x1c5: {  	v20 =	vld.idx.msk [tilespmem:v45+s16+$0x0], $0xffff;
	v3 =	vmul.f32 v3, v19;
	v7 =	vmul.f32 v13, v10  }
0x1c6: {  	v4 =	vld.idx.msk [tilespmem:v45+s19+$0x0], $0xffff  }
0x1c7: {  	v8 =	vld.idx.msk [tilespmem:v45+s17+$0x0], $0xffff;
	v2 =	vsub.f32 v3, v7;
	_ =	sdelay $0x1  }
0x1c8: {  	v1 =	vmul.f32 v2, v1;
	_ =	sdelay $0x1  }
0x1c9: {  	v0 =	vadd.f32 v0, v1;
	v1 =	vld [tilespmem:$0x1FF50]  }
0x1ca: {  	v16 =	vmul.f32 v14, v20;
	v17 =	vmul.f32 v4, v8;
	_ =	sdelay $0x1  }
0x1cb: {  	v2 =	vadd.f32 v17, v16;
	_ =	sdelay $0x1  }
0x1cc: {  	v1 =	vmul.f32 v2, v1  }
0x1cd: {  	v22 =	vld.idx.msk [tilespmem:v42+s16+$0x0], $0xffff  }
0x1ce: {  	v0 =	vadd.f32 v1, v0;
	v1 =	vld [tilespmem:$0x1FF40]  }
0x1cf: {  	v11 =	vld.idx.msk [tilespmem:v42+s18+$0x0], $0xffff;
	v4 =	vmul.f32 v4, v20;
	v7 =	vmul.f32 v14, v8  }
0x1d0: {  	v6 =	vld.idx.msk [tilespmem:v42+s19+$0x0], $0xffff  }
0x1d1: {  	v10 =	vld.idx.msk [tilespmem:v42+s17+$0x0], $0xffff;
	v2 =	vsub.f32 v4, v7;
	_ =	sdelay $0x1  }
0x1d2: {  	v1 =	vmul.f32 v2, v1;
	_ =	sdelay $0x1  }
0x1d3: {  	v0 =	vadd.f32 v0, v1;
	v1 =	vld [tilespmem:$0x1FF30]  }
0x1d4: {  	v16 =	vmul.f32 v11, v22;
	v17 =	vmul.f32 v6, v10;
	_ =	sdelay $0x1  }
0x1d5: {  	v2 =	vadd.f32 v17, v16;
	_ =	sdelay $0x1  }
0x1d6: {  	v1 =	vmul.f32 v2, v1  }
0x1d7: {  	v19 =	vld.idx.msk [tilespmem:v39+s16+$0x0], $0xffff  }
0x1d8: {  	v0 =	vadd.f32 v1, v0;
	v1 =	vld [tilespmem:$0x1FF20]  }
0x1d9: {  	v13 =	vld.idx.msk [tilespmem:v39+s18+$0x0], $0xffff;
	v6 =	vmul.f32 v6, v22;
	v7 =	vmul.f32 v11, v10  }
0x1da: {  	v3 =	vld.idx.msk [tilespmem:v39+s19+$0x0], $0xffff  }
0x1db: {  	v8 =	vld.idx.msk [tilespmem:v39+s17+$0x0], $0xffff;
	v2 =	vsub.f32 v6, v7;
	_ =	sdelay $0x1  }
0x1dc: {  	v1 =	vmul.f32 v2, v1;
	_ =	sdelay $0x1  }
0x1dd: {  	v0 =	vadd.f32 v0, v1;
	v1 =	vld [tilespmem:$0x1FF10]  }
0x1de: {  	v16 =	vmul.f32 v13, v19;
	v17 =	vmul.f32 v3, v8;
	_ =	sdelay $0x1  }
0x1df: {  	v2 =	vadd.f32 v17, v16;
	_ =	sdelay $0x1  }
0x1e0: {  	v1 =	vmul.f32 v2, v1  }
0x1e1: {  	v20 =	vld.idx.msk [tilespmem:v36+s16+$0x0], $0xffff  }
0x1e2: {  	v0 =	vadd.f32 v1, v0;
	v1 =	vld [tilespmem:$0x1FF00]  }
0x1e3: {  	v14 =	vld.idx.msk [tilespmem:v36+s18+$0x0], $0xffff;
	v3 =	vmul.f32 v3, v19;
	v7 =	vmul.f32 v13, v8  }
0x1e4: {  	v4 =	vld.idx.msk [tilespmem:v36+s19+$0x0], $0xffff  }
0x1e5: {  	v10 =	vld.idx.msk [tilespmem:v36+s17+$0x0], $0xffff;
	v2 =	vsub.f32 v3, v7;
	_ =	sdelay $0x1  }
0x1e6: {  	v1 =	vmul.f32 v2, v1;
	_ =	sdelay $0x1  }
0x1e7: {  	v0 =	vadd.f32 v0, v1;
	v1 =	vld [tilespmem:$0x1FEF0]  }
0x1e8: {  	v16 =	vmul.f32 v14, v20;
	v17 =	vmul.f32 v4, v10;
	_ =	sdelay $0x1  }
0x1e9: {  	v2 =	vadd.f32 v17, v16;
	_ =	sdelay $0x1  }
0x1ea: {  	v1 =	vmul.f32 v2, v1  }
0x1eb: {  	v22 =	vld.idx.msk [tilespmem:v33+s16+$0x0], $0xffff  }
0x1ec: {  	v0 =	vadd.f32 v1, v0;
	v1 =	vld [tilespmem:$0x1FEE0]  }
0x1ed: {  	v11 =	vld.idx.msk [tilespmem:v33+s18+$0x0], $0xffff;
	v4 =	vmul.f32 v4, v20;
	v7 =	vmul.f32 v14, v10  }
0x1ee: {  	v6 =	vld.idx.msk [tilespmem:v33+s19+$0x0], $0xffff  }
0x1ef: {  	v8 =	vld.idx.msk [tilespmem:v33+s17+$0x0], $0xffff;
	v2 =	vsub.f32 v4, v7;
	_ =	sdelay $0x1  }
0x1f0: {  	v1 =	vmul.f32 v2, v1;
	_ =	sdelay $0x1  }
0x1f1: {  	v0 =	vadd.f32 v0, v1;
	v1 =	vld [tilespmem:$0x1FED0]  }
0x1f2: {  	v16 =	vmul.f32 v11, v22;
	v17 =	vmul.f32 v6, v8;
	_ =	sdelay $0x1  }
0x1f3: {  	v2 =	vadd.f32 v17, v16;
	_ =	sdelay $0x1  }
0x1f4: {  	v1 =	vmul.f32 v2, v1  }
0x1f5: {  	v19 =	vld.idx.msk [tilespmem:v30+s16+$0x0], $0xffff  }
0x1f6: {  	v0 =	vadd.f32 v1, v0;
	v1 =	vld [tilespmem:$0x1FEC0]  }
0x1f7: {  	v13 =	vld.idx.msk [tilespmem:v30+s18+$0x0], $0xffff;
	v6 =	vmul.f32 v6, v22;
	v7 =	vmul.f32 v11, v8  }
0x1f8: {  	v3 =	vld.idx.msk [tilespmem:v30+s19+$0x0], $0xffff  }
0x1f9: {  	v10 =	vld.idx.msk [tilespmem:v30+s17+$0x0], $0xffff;
	v2 =	vsub.f32 v6, v7;
	_ =	sdelay $0x1  }
0x1fa: {  	v1 =	vmul.f32 v2, v1;
	_ =	sdelay $0x1  }
0x1fb: {  	v0 =	vadd.f32 v0, v1;
	v1 =	vld [tilespmem:$0x1FEB0]  }
0x1fc: {  	v16 =	vmul.f32 v13, v19;
	v17 =	vmul.f32 v3, v10;
	_ =	sdelay $0x1  }
0x1fd: {  	v2 =	vadd.f32 v17, v16;
	_ =	sdelay $0x1  }
0x1fe: {  	v1 =	vmul.f32 v2, v1  }
0x1ff: {  	v20 =	vld.idx.msk [tilespmem:v27+s16+$0x0], $0xffff  }
0x200: {  	v0 =	vadd.f32 v1, v0;
	v1 =	vld [tilespmem:$0x1FEA0]  }
0x201: {  	v14 =	vld.idx.msk [tilespmem:v27+s18+$0x0], $0xffff;
	v3 =	vmul.f32 v3, v19;
	v7 =	vmul.f32 v13, v10  }
0x202: {  	v4 =	vld.idx.msk [tilespmem:v27+s19+$0x0], $0xffff  }
0x203: {  	v8 =	vld.idx.msk [tilespmem:v27+s17+$0x0], $0xffff;
	v2 =	vsub.f32 v3, v7;
	_ =	sdelay $0x1  }
0x204: {  	v1 =	vmul.f32 v2, v1;
	_ =	sdelay $0x1  }
0x205: {  	v0 =	vadd.f32 v0, v1;
	v1 =	vld [tilespmem:$0x1FE90]  }
0x206: {  	v16 =	vmul.f32 v14, v20;
	v17 =	vmul.f32 v4, v8;
	_ =	sdelay $0x1  }
0x207: {  	v2 =	vadd.f32 v17, v16;
	_ =	sdelay $0x1  }
0x208: {  	v1 =	vmul.f32 v2, v1  }
0x209: {  	v22 =	vld.idx.msk [tilespmem:v24+s16+$0x0], $0xffff  }
0x20a: {  	v0 =	vadd.f32 v1, v0;
	v1 =	vld [tilespmem:$0x1FE80]  }
0x20b: {  	v11 =	vld.idx.msk [tilespmem:v24+s18+$0x0], $0xffff;
	v4 =	vmul.f32 v4, v20;
	v7 =	vmul.f32 v14, v8  }
0x20c: {  	v6 =	vld.idx.msk [tilespmem:v24+s19+$0x0], $0xffff  }
0x20d: {  	v10 =	vld.idx.msk [tilespmem:v24+s17+$0x0], $0xffff;
	v2 =	vsub.f32 v4, v7;
	_ =	sdelay $0x1  }
0x20e: {  	v1 =	vmul.f32 v2, v1;
	_ =	sdelay $0x1  }
0x20f: {  	v0 =	vadd.f32 v0, v1;
	v1 =	vld [tilespmem:$0x1FE70]  }
0x210: {  	v16 =	vmul.f32 v11, v22;
	v17 =	vmul.f32 v6, v10;
	_ =	sdelay $0x1  }
0x211: {  	v2 =	vadd.f32 v17, v16;
	_ =	sdelay $0x1  }
0x212: {  	v1 =	vmul.f32 v2, v1  }
0x213: {  	v19 =	vld.idx.msk [tilespmem:v21+s16+$0x0], $0xffff  }
0x214: {  	v0 =	vadd.f32 v1, v0;
	v1 =	vld [tilespmem:$0x1FE60]  }
0x215: {  	v13 =	vld.idx.msk [tilespmem:v21+s18+$0x0], $0xffff;
	v6 =	vmul.f32 v6, v22;
	v7 =	vmul.f32 v11, v10  }
0x216: {  	v3 =	vld.idx.msk [tilespmem:v21+s19+$0x0], $0xffff  }
0x217: {  	v8 =	vld.idx.msk [tilespmem:v21+s17+$0x0], $0xffff;
	v2 =	vsub.f32 v6, v7;
	_ =	sdelay $0x1  }
0x218: {  	v1 =	vmul.f32 v2, v1;
	_ =	sdelay $0x1  }
0x219: {  	v0 =	vadd.f32 v0, v1;
	v1 =	vld [tilespmem:$0x1FE50]  }
0x21a: {  	v16 =	vmul.f32 v13, v19;
	v17 =	vmul.f32 v3, v8;
	_ =	sdelay $0x1  }
0x21b: {  	v2 =	vadd.f32 v17, v16;
	_ =	sdelay $0x1  }
0x21c: {  	v1 =	vmul.f32 v2, v1  }
0x21d: {  	v20 =	vld.idx.msk [tilespmem:v18+s16+$0x0], $0xffff  }
0x21e: {  	v0 =	vadd.f32 v1, v0;
	v1 =	vld [tilespmem:$0x1FE40]  }
0x21f: {  	v14 =	vld.idx.msk [tilespmem:v18+s18+$0x0], $0xffff;
	v3 =	vmul.f32 v3, v19;
	v7 =	vmul.f32 v13, v8  }
0x220: {  	v4 =	vld.idx.msk [tilespmem:v18+s19+$0x0], $0xffff  }
0x221: {  	v10 =	vld.idx.msk [tilespmem:v18+s17+$0x0], $0xffff;
	v2 =	vsub.f32 v3, v7  }
0x222: {  	v11 =	vld.idx.msk [tilespmem:v15+s18+$0x0], $0xffff  }
0x223: {  	v18 =	vld.idx.msk [tilespmem:v15+s16+$0x0], $0xffff;
	v1 =	vmul.f32 v2, v1  }
0x224: {  	v6 =	vld.idx.msk [tilespmem:v15+s19+$0x0], $0xffff  }
0x225: {  	v0 =	vadd.f32 v0, v1;
	v1 =	vld [tilespmem:$0x1FE30]  }
0x226: {  	v8 =	vld.idx.msk [tilespmem:v15+s17+$0x0], $0xffff;
	v15 =	vmul.f32 v14, v20;
	v16 =	vmul.f32 v4, v10;
	_ =	sdelay $0x1  }
0x227: {  	v2 =	vadd.f32 v16, v15;
	_ =	sdelay $0x1  }
0x228: {  	v1 =	vmul.f32 v2, v1;
	_ =	sdelay $0x1  }
0x229: {  	v0 =	vadd.f32 v1, v0;
	v1 =	vld [tilespmem:$0x1FE20]  }
0x22a: {  	v4 =	vmul.f32 v4, v20;
	v7 =	vmul.f32 v14, v10;
	_ =	sdelay $0x1  }
0x22b: {  	v2 =	vsub.f32 v4, v7;
	_ =	sdelay $0x1  }
0x22c: {  	v1 =	vmul.f32 v2, v1;
	_ =	sdelay $0x1  }
0x22d: {  	v0 =	vadd.f32 v0, v1;
	v1 =	vld [tilespmem:$0x1FE10]  }
0x22e: {  	v14 =	vmul.f32 v11, v18;
	v15 =	vmul.f32 v6, v8;
	_ =	sdelay $0x1  }
0x22f: {  	v2 =	vadd.f32 v15, v14;
	_ =	sdelay $0x1  }
0x230: {  	v1 =	vmul.f32 v2, v1  }
0x231: {  	v13 =	vld.idx.msk [tilespmem:v12+s18+$0x0], $0xffff  }
0x232: {  	v0 =	vadd.f32 v1, v0;
	v1 =	vld [tilespmem:$0x1FE00]  }
0x233: {  	v17 =	vld.idx.msk [tilespmem:v12+s16+$0x0], $0xffff;
	v6 =	vmul.f32 v6, v18;
	v7 =	vmul.f32 v11, v8  }
0x234: {  	v3 =	vld.idx.msk [tilespmem:v12+s19+$0x0], $0xffff  }
0x235: {  	v10 =	vld.idx.msk [tilespmem:v12+s17+$0x0], $0xffff;
	v2 =	vsub.f32 v6, v7;
	_ =	sdelay $0x1  }
0x236: {  	v1 =	vmul.f32 v2, v1;
	_ =	sdelay $0x1  }
0x237: {  	v0 =	vadd.f32 v0, v1;
	v1 =	vld [tilespmem:$0x1FDF0]  }
0x238: {  	v14 =	vmul.f32 v13, v17;
	v15 =	vmul.f32 v3, v10;
	_ =	sdelay $0x1  }
0x239: {  	v2 =	vadd.f32 v15, v14;
	_ =	sdelay $0x1  }
0x23a: {  	v1 =	vmul.f32 v2, v1  }
0x23b: {  	v12 =	vld.idx.msk [tilespmem:v9+s18+$0x0], $0xffff  }
0x23c: {  	v0 =	vadd.f32 v1, v0;
	v1 =	vld [tilespmem:$0x1FDE0]  }
0x23d: {  	v16 =	vld.idx.msk [tilespmem:v9+s16+$0x0], $0xffff;
	v3 =	vmul.f32 v3, v17;
	v7 =	vmul.f32 v13, v10  }
0x23e: {  	v4 =	vld.idx.msk [tilespmem:v9+s19+$0x0], $0xffff  }
0x23f: {  	v8 =	vld.idx.msk [tilespmem:v9+s17+$0x0], $0xffff;
	v2 =	vsub.f32 v3, v7;
	_ =	sdelay $0x1  }
0x240: {  	v19 =	vld [tilespmem:$0x1FDB0];
	v1 =	vmul.f32 v2, v1;
	_ =	sdelay $0x1  }
0x241: {  	v0 =	vadd.f32 v0, v1;
	v1 =	vld [tilespmem:$0x1FDD0]  }
0x242: {  	v14 =	vmul.f32 v12, v16;
	v15 =	vmul.f32 v4, v8;
	_ =	sdelay $0x1  }
0x243: {  	v2 =	vadd.f32 v15, v14;
	_ =	sdelay $0x1  }
0x244: {  	v1 =	vmul.f32 v2, v1  }
0x245: {  	v18 =	vld.idx.msk [tilespmem:v19+s16+$0x0], $0xffff  }
0x246: {  	v0 =	vadd.f32 v1, v0;
	v1 =	vld [tilespmem:$0x1FDC0]  }
0x247: {  	v9 =	vor.u32 $0x1E, v5;
	v11 =	vld.idx.msk [tilespmem:v19+s18+$0x0], $0xffff;
	v4 =	vmul.f32 v4, v16;
	v7 =	vmul.f32 v12, v8  }
0x248: {  	v6 =	vld.idx.msk [tilespmem:v19+s19+$0x0], $0xffff  }
0x249: {  	v10 =	vld.idx.msk [tilespmem:v19+s17+$0x0], $0xffff;
	v2 =	vsub.f32 v4, v7  }
0x24a: {  	v5 =	vor.u32 $0x1F, v5  }
0x24b: {  	v1 =	vmul.f32 v2, v1  }
0x24c: {  	v17 =	vld.idx.msk [tilespmem:v9+s16+$0x0], $0xffff  }
0x24d: {  	v0 =	vadd.f32 v0, v1;
	v1 =	vld [tilespmem:$0x1FD10]  }
0x24e: {  	v13 =	vld.idx.msk [tilespmem:v9+s18+$0x0], $0xffff;
	v14 =	vmul.f32 v11, v18;
	v15 =	vmul.f32 v6, v10  }
0x24f: {  	v16 =	vld.idx.msk [tilespmem:v5+s16+$0x0], $0xffff  }
0x250: {  	v3 =	vld.idx.msk [tilespmem:v9+s19+$0x0], $0xffff;
	v2 =	vadd.f32 v15, v14  }
0x251: {  	v8 =	vld.idx.msk [tilespmem:v9+s17+$0x0], $0xffff  }
0x252: {  	v12 =	vld.idx.msk [tilespmem:v5+s18+$0x0], $0xffff;
	v1 =	vmul.f32 v2, v1  }
0x253: {  	v4 =	vld.idx.msk [tilespmem:v5+s19+$0x0], $0xffff  }
0x254: {  	v0 =	vadd.f32 v1, v0;
	v1 =	vld [tilespmem:$0x1FD20]  }
0x255: {  	v6 =	vmul.f32 v6, v18;
	v7 =	vmul.f32 v11, v10;
	v10 =	vld.idx.msk [tilespmem:v5+s17+$0x0], $0xffff  }
0x256: {  	v11 =	vld.idx.msk [tilespmem:v9+s20+$0x0], $0xffff  }
0x257: {  	v14 =	vmul.f32 v13, v17;
	v15 =	vmul.f32 v3, v8;
	v2 =	vsub.f32 v6, v7  }
0x258: {  	v3 =	vmul.f32 v3, v17;
	v6 =	vld.idx.msk [tilespmem:v9+s21+$0x0], $0xffff  }
0x259: {  	v7 =	vmul.f32 v13, v8;
	v1 =	vmul.f32 v2, v1;
	v2 =	vadd.f32 v15, v14  }
0x25a: {  	v8 =	vld.idx.msk [tilespmem:v5+s20+$0x0], $0xffff;
	v9 =	vmul.f32 v12, v16;
	v13 =	vmul.f32 v4, v10  }
0x25b: {  	v52 =	vld [tilespmem:$0x1FFF0];
	v0 =	vadd.f32 v0, v1;
	v1 =	vmul.f32 v2, v11;
	v2 =	vsub.f32 v3, v7  }
0x25c: {  	v4 =	vmul.f32 v4, v16;
	v3 =	vld.idx.msk [tilespmem:v5+s21+$0x0], $0xffff;
	v5 =	vmov s29;
	v7 =	vmul.f32 v12, v10  }
0x25d: {  	v0 =	vadd.f32 v1, v0;
	v1 =	vmul.f32 v2, v6;
	v2 =	vadd.f32 v13, v9  }
0x25e: {  	v5 =	vshll.u32 v5, $0x5  }
0x25f: {  	v0 =	vadd.f32 v0, v1;
	v1 =	vmul.f32 v2, v8;
	v2 =	vsub.f32 v4, v7  }
0x260: {  	v5 =	vor.u32 v52, v5  }
0x261: {  	v9 =	vor.u32 $0x1C, v5;
	v0 =	vadd.f32 v1, v0;
	v1 =	vmul.f32 v2, v3;
	_ =	sdelay $0x1  }
0x262: {  	v0 =	vadd.f32 v0, v1  }
0x263: {  	s28 =	sadd.s32 $0x10, s28  }
0x264: {  	[tilespmem:s28+$0x0] =	vst v0  }
0x265: {  	v0 =	vld.idx.msk [tilespmem:v9+s21+$0x0], $0xffff;
	_ =	sdelay $0x4  }
0x266: {  	v12 =	vor.u32 $0x1B, v5;
	[tilespmem:$0x1FDC0] =	vst v0;
	v0 =	vld.idx.msk [tilespmem:v9+s20+$0x0], $0xffff;
	_ =	sdelay $0x4  }
0x267: {  	[tilespmem:$0x1FDD0] =	vst v0;
	v0 =	vld.idx.msk [tilespmem:v12+s21+$0x0], $0xffff;
	_ =	sdelay $0x4  }
0x268: {  	v15 =	vor.u32 $0x1A, v5;
	[tilespmem:$0x1FDE0] =	vst v0;
	v0 =	vld.idx.msk [tilespmem:v12+s20+$0x0], $0xffff;
	_ =	sdelay $0x4  }
0x269: {  	[tilespmem:$0x1FDF0] =	vst v0;
	v0 =	vld.idx.msk [tilespmem:v15+s21+$0x0], $0xffff;
	_ =	sdelay $0x4  }
0x26a: {  	v18 =	vor.u32 $0x19, v5;
	[tilespmem:$0x1FE00] =	vst v0;
	v0 =	vld.idx.msk [tilespmem:v15+s20+$0x0], $0xffff;
	_ =	sdelay $0x4  }
0x26b: {  	[tilespmem:$0x1FE10] =	vst v0;
	v0 =	vld.idx.msk [tilespmem:v18+s21+$0x0], $0xffff;
	_ =	sdelay $0x4  }
0x26c: {  	v21 =	vor.u32 $0x18, v5;
	[tilespmem:$0x1FE20] =	vst v0;
	v0 =	vld.idx.msk [tilespmem:v18+s20+$0x0], $0xffff;
	_ =	sdelay $0x4  }
0x26d: {  	[tilespmem:$0x1FE30] =	vst v0;
	v0 =	vld.idx.msk [tilespmem:v21+s21+$0x0], $0xffff;
	_ =	sdelay $0x4  }
0x26e: {  	v24 =	vor.u32 $0x17, v5;
	[tilespmem:$0x1FE40] =	vst v0;
	v0 =	vld.idx.msk [tilespmem:v21+s20+$0x0], $0xffff;
	_ =	sdelay $0x4  }
0x26f: {  	[tilespmem:$0x1FE50] =	vst v0;
	v0 =	vld.idx.msk [tilespmem:v24+s21+$0x0], $0xffff;
	_ =	sdelay $0x4  }
0x270: {  	v27 =	vor.u32 $0x16, v5;
	[tilespmem:$0x1FE60] =	vst v0;
	v0 =	vld.idx.msk [tilespmem:v24+s20+$0x0], $0xffff;
	_ =	sdelay $0x4  }
0x271: {  	[tilespmem:$0x1FE70] =	vst v0;
	v0 =	vld.idx.msk [tilespmem:v27+s21+$0x0], $0xffff;
	_ =	sdelay $0x4  }
0x272: {  	v30 =	vor.u32 $0x15, v5;
	[tilespmem:$0x1FE80] =	vst v0;
	v0 =	vld.idx.msk [tilespmem:v27+s20+$0x0], $0xffff;
	_ =	sdelay $0x4  }
0x273: {  	[tilespmem:$0x1FE90] =	vst v0;
	v0 =	vld.idx.msk [tilespmem:v30+s21+$0x0], $0xffff;
	_ =	sdelay $0x4  }
0x274: {  	v33 =	vor.u32 $0x14, v5;
	[tilespmem:$0x1FEA0] =	vst v0;
	v0 =	vld.idx.msk [tilespmem:v30+s20+$0x0], $0xffff;
	_ =	sdelay $0x4  }
0x275: {  	[tilespmem:$0x1FEB0] =	vst v0;
	v0 =	vld.idx.msk [tilespmem:v33+s21+$0x0], $0xffff;
	_ =	sdelay $0x4  }
0x276: {  	v36 =	vor.u32 $0x13, v5;
	[tilespmem:$0x1FEC0] =	vst v0;
	v0 =	vld.idx.msk [tilespmem:v33+s20+$0x0], $0xffff;
	_ =	sdelay $0x4  }
0x277: {  	[tilespmem:$0x1FED0] =	vst v0;
	v0 =	vld.idx.msk [tilespmem:v36+s21+$0x0], $0xffff;
	_ =	sdelay $0x4  }
0x278: {  	v39 =	vor.u32 $0x12, v5;
	[tilespmem:$0x1FEE0] =	vst v0;
	v0 =	vld.idx.msk [tilespmem:v36+s20+$0x0], $0xffff;
	_ =	sdelay $0x4  }
0x279: {  	[tilespmem:$0x1FEF0] =	vst v0;
	v0 =	vld.idx.msk [tilespmem:v39+s21+$0x0], $0xffff;
	_ =	sdelay $0x4  }
0x27a: {  	v42 =	vor.u32 $0x11, v5;
	[tilespmem:$0x1FF00] =	vst v0;
	v0 =	vld.idx.msk [tilespmem:v39+s20+$0x0], $0xffff;
	_ =	sdelay $0x4  }
0x27b: {  	[tilespmem:$0x1FF10] =	vst v0;
	v0 =	vld.idx.msk [tilespmem:v42+s21+$0x0], $0xffff;
	_ =	sdelay $0x4  }
0x27c: {  	v45 =	vor.u32 $0x10, v5;
	[tilespmem:$0x1FF20] =	vst v0;
	v0 =	vld.idx.msk [tilespmem:v42+s20+$0x0], $0xffff;
	_ =	sdelay $0x4  }
0x27d: {  	[tilespmem:$0x1FF30] =	vst v0;
	v0 =	vld.idx.msk [tilespmem:v45+s21+$0x0], $0xffff;
	_ =	sdelay $0x4  }
0x27e: {  	v48 =	vor.u32 $0xF, v5;
	[tilespmem:$0x1FF40] =	vst v0;
	v0 =	vld.idx.msk [tilespmem:v45+s20+$0x0], $0xffff;
	_ =	sdelay $0x4  }
0x27f: {  	[tilespmem:$0x1FF50] =	vst v0;
	v0 =	vld.idx.msk [tilespmem:v48+s21+$0x0], $0xffff;
	_ =	sdelay $0x4  }
0x280: {  	v51 =	vor.u32 $0xE, v5;
	[tilespmem:$0x1FF60] =	vst v0;
	v0 =	vld.idx.msk [tilespmem:v48+s20+$0x0], $0xffff;
	_ =	sdelay $0x4  }
0x281: {  	[tilespmem:$0x1FF70] =	vst v0;
	v0 =	vld.idx.msk [tilespmem:v51+s21+$0x0], $0xffff;
	_ =	sdelay $0x2  }
0x282: {  	v4 =	vor.u32 $0x1D, v5;
	_ =	sdelay $0x1  }
0x283: {  	v54 =	vor.u32 $0xD, v5;
	[tilespmem:$0x1FF80] =	vst v0;
	v0 =	vld.idx.msk [tilespmem:v51+s20+$0x0], $0xffff  }
0x284: {  	v60 =	vor.u32 $0xB, v5  }
0x285: {  	v63 =	vor.u32 $0xA, v5  }
0x286: {  	v53 =	vld.idx.msk [tilespmem:v4+s21+$0x0], $0xffff  }
0x287: {  	v2 =	vor.u32 $0x9, v5;
	v55 =	vld.idx.msk [tilespmem:v4+s20+$0x0], $0xffff  }
0x288: {  	[tilespmem:$0x1FF90] =	vst v0;
	v0 =	vld.idx.msk [tilespmem:v54+s21+$0x0], $0xffff  }
0x289: {  	v56 =	vld.idx.msk [tilespmem:v60+s20+$0x0], $0xffff  }
0x28a: {  	v7 =	vor.u32 $0x8, v5;
	v58 =	vld.idx.msk [tilespmem:v63+s21+$0x0], $0xffff  }
0x28b: {  	v11 =	vor.u32 $0x7, v5;
	v59 =	vld.idx.msk [tilespmem:v63+s20+$0x0], $0xffff  }
0x28c: {  	v61 =	vld.idx.msk [tilespmem:v2+s21+$0x0], $0xffff  }
0x28d: {  	v57 =	vor.u32 $0xC, v5;
	[tilespmem:$0x1FFA0] =	vst v0;
	v0 =	vld.idx.msk [tilespmem:v54+s20+$0x0], $0xffff  }
0x28e: {  	v16 =	vor.u32 $0x6, v5;
	v62 =	vld.idx.msk [tilespmem:v2+s20+$0x0], $0xffff  }
0x28f: {  	v1 =	vld.idx.msk [tilespmem:v7+s20+$0x0], $0xffff  }
0x290: {  	v20 =	vor.u32 $0x5, v5;
	v3 =	vld.idx.msk [tilespmem:v11+s21+$0x0], $0xffff  }
0x291: {  	[tilespmem:$0x1FDB0] =	vst v4;
	v4 =	vld.idx.msk [tilespmem:v11+s20+$0x0], $0xffff  }
0x292: {  	[tilespmem:$0x1FFB0] =	vst v0;
	v0 =	vld.idx.msk [tilespmem:v57+s21+$0x0], $0xffff  }
0x293: {  	v25 =	vor.u32 $0x4, v5;
	v8 =	vld.idx.msk [tilespmem:v16+s21+$0x0], $0xffff  }
0x294: {  	v10 =	vld.idx.msk [tilespmem:v16+s20+$0x0], $0xffff  }
0x295: {  	v29 =	vor.u32 $0x3, v5;
	v13 =	vld.idx.msk [tilespmem:v20+s21+$0x0], $0xffff  }
0x296: {  	v14 =	vld.idx.msk [tilespmem:v20+s20+$0x0], $0xffff  }
0x297: {  	[tilespmem:$0x1FFC0] =	vst v0;
	v0 =	vld.idx.msk [tilespmem:v57+s20+$0x0], $0xffff  }
0x298: {  	v34 =	vor.u32 $0x2, v5;
	v17 =	vld.idx.msk [tilespmem:v25+s21+$0x0], $0xffff  }
0x299: {  	v19 =	vld.idx.msk [tilespmem:v25+s20+$0x0], $0xffff  }
0x29a: {  	v35 =	vor.u32 $0x1, v5;
	v22 =	vld.idx.msk [tilespmem:v29+s21+$0x0], $0xffff  }
0x29b: {  	v23 =	vld.idx.msk [tilespmem:v29+s20+$0x0], $0xffff  }
0x29c: {  	p0 =	sne.s32 s29, $0x70;
	[tilespmem:$0x1FFD0] =	vst v0;
	v0 =	vld.idx.msk [tilespmem:v60+s21+$0x0], $0xffff  }
.Ltmp0:
0x29d: {  	v26 =	vld.idx.msk [tilespmem:v34+s21+$0x0], $0xffff;
	(pc) =	sbr.rel @p0 .LBB2_3-.Ltmp0, $4  }
0x29e: {  	v28 =	vld.idx.msk [tilespmem:v34+s20+$0x0], $0xffff  }
0x29f: {  	v31 =	vld.idx.msk [tilespmem:v35+s21+$0x0], $0xffff  }
0x2a0: {  	v32 =	vld.idx.msk [tilespmem:v35+s20+$0x0], $0xffff  }
0x2a1: {  	s29 =	sadd.s32 $0x10, s29;
	[tilespmem:$0x1FFE0] =	vst v0;
	v0 =	vld.idx.msk [tilespmem:v7+s21+$0x0], $0xffff  }
0x2a2: {  	_ =	sdelay $0x3  }
0x2a3: {  	v6 =	vld.idx.msk [tilespmem:v5+s18+$0x0], $0xffff  }
0x2a4: {  	v37 =	vld.idx.msk [tilespmem:v5+s16+$0x0], $0xffff  }
0x2a5: {  	v38 =	vld.idx.msk [tilespmem:v5+s19+$0x0], $0xffff  }
0x2a6: {  	v40 =	vld.idx.msk [tilespmem:v5+s17+$0x0], $0xffff  }
0x2a7: {  	v41 =	vld.idx.msk [tilespmem:v5+s20+$0x0], $0xffff  }
0x2a8: {  	v43 =	vld.idx.msk [tilespmem:v35+s18+$0x0], $0xffff  }
0x2a9: {  	v44 =	vld.idx.msk [tilespmem:v35+s16+$0x0], $0xffff  }
0x2aa: {  	v46 =	vld.idx.msk [tilespmem:v35+s19+$0x0], $0xffff  }
0x2ab: {  	v35 =	vld.idx.msk [tilespmem:v35+s17+$0x0], $0xffff  }
0x2ac: {  	v47 =	vmul.f32 v6, v37;
	v49 =	vmul.f32 v38, v40  }
0x2ad: {  	v50 =	vld.idx.msk [tilespmem:v5+s21+$0x0], $0xffff;
	v37 =	vmul.f32 v38, v37;
	v6 =	vmul.f32 v6, v40  }
0x2ae: {  	v38 =	vld.idx.msk [tilespmem:v34+s16+$0x0], $0xffff;
	v47 =	vadd.f32 v49, v47  }
0x2af: {  	v49 =	vld.idx.msk [tilespmem:v34+s18+$0x0], $0xffff;
	v6 =	vsub.f32 v37, v6;
	v37 =	vmul.f32 v43, v44  }
0x2b0: {  	v40 =	vmul.f32 v47, v41;
	v41 =	vld.idx.msk [tilespmem:v34+s19+$0x0], $0xffff;
	v47 =	vmul.f32 v46, v35  }
0x2b1: {  	v34 =	vld.idx.msk [tilespmem:v34+s17+$0x0], $0xffff  }
0x2b2: {  	v44 =	vmul.f32 v46, v44;
	v35 =	vmul.f32 v43, v35;
	v43 =	vld.idx.msk [tilespmem:v29+s16+$0x0], $0xffff;
	v37 =	vadd.f32 v47, v37  }
0x2b3: {  	v6 =	vmul.f32 v6, v50;
	v40 =	vadd.f32 $0.0e+00, v40;
	v47 =	vld.idx.msk [tilespmem:v29+s18+$0x0], $0xffff  }
0x2b4: {  	v35 =	vsub.f32 v44, v35;
	v32 =	vmul.f32 v37, v32;
	v37 =	vld.idx.msk [tilespmem:v29+s19+$0x0], $0xffff  }
0x2b5: {  	v6 =	vadd.f32 v40, v6;
	v29 =	vld.idx.msk [tilespmem:v29+s17+$0x0], $0xffff;
	v40 =	vmul.f32 v49, v38  }
0x2b6: {  	v31 =	vmul.f32 v35, v31;
	v35 =	vld.idx.msk [tilespmem:v25+s18+$0x0], $0xffff;
	v50 =	vmul.f32 v41, v34  }
0x2b7: {  	v38 =	vmul.f32 v41, v38;
	v34 =	vmul.f32 v49, v34;
	v6 =	vadd.f32 v32, v6;
	v32 =	vld.idx.msk [tilespmem:v20+s18+$0x0], $0xffff  }
0x2b8: {  	v44 =	vadd.f32 v50, v40;
	v40 =	vld.idx.msk [tilespmem:v25+s16+$0x0], $0xffff  }
0x2b9: {  	v46 =	vsub.f32 v38, v34;
	v34 =	vld.idx.msk [tilespmem:v16+s19+$0x0], $0xffff  }
0x2ba: {  	v6 =	vadd.f32 v6, v31;
	v31 =	vld.idx.msk [tilespmem:v25+s19+$0x0], $0xffff  }
0x2bb: {  	v25 =	vld.idx.msk [tilespmem:v25+s17+$0x0], $0xffff;
	v28 =	vmul.f32 v44, v28  }
0x2bc: {  	v49 =	vmul.f32 v47, v43;
	v38 =	vld.idx.msk [tilespmem:v16+s17+$0x0], $0xffff;
	v50 =	vmul.f32 v37, v29  }
0x2bd: {  	v26 =	vmul.f32 v46, v26;
	v43 =	vmul.f32 v37, v43;
	v37 =	vld.idx.msk [tilespmem:v20+s16+$0x0], $0xffff;
	v6 =	vadd.f32 v28, v6  }
0x2be: {  	v41 =	vadd.f32 v50, v49;
	v28 =	vld.idx.msk [tilespmem:v16+s18+$0x0], $0xffff  }
0x2bf: {  	v29 =	vmul.f32 v47, v29;
	v46 =	vmul.f32 v35, v40;
	v6 =	vadd.f32 v6, v26;
	v26 =	vld.idx.msk [tilespmem:v20+s19+$0x0], $0xffff  }
0x2c0: {  	v23 =	vmul.f32 v41, v23;
	v20 =	vld.idx.msk [tilespmem:v20+s17+$0x0], $0xffff;
	v47 =	vmul.f32 v31, v25  }
0x2c1: {  	v44 =	vsub.f32 v43, v29;
	v50 =	vmul.f32 v31, v40;
	v25 =	vmul.f32 v35, v25;
	v31 =	vld.idx.msk [tilespmem:v16+s16+$0x0], $0xffff  }
0x2c2: {  	v6 =	vadd.f32 v23, v6;
	v23 =	vld.idx.msk [tilespmem:v11+s18+$0x0], $0xffff  }
0x2c3: {  	v22 =	vmul.f32 v44, v22;
	v49 =	vadd.f32 v47, v46;
	v35 =	vsub.f32 v50, v25;
	v47 =	vld.idx.msk [tilespmem:v11+s17+$0x0], $0xffff  }
0x2c4: {  	v50 =	vmul.f32 v34, v38;
	v16 =	vmul.f32 v28, v38;
	v38 =	vld.idx.msk [tilespmem:v7+s17+$0x0], $0xffff  }
0x2c5: {  	v17 =	vmul.f32 v35, v17;
	v35 =	vld.idx.msk [tilespmem:v7+s19+$0x0], $0xffff  }
0x2c6: {  	v40 =	vmul.f32 v32, v37;
	v6 =	vadd.f32 v6, v22;
	v22 =	vld.idx.msk [tilespmem:v57+s19+$0x0], $0xffff  }
0x2c7: {  	v41 =	vmul.f32 v26, v20;
	v44 =	vmul.f32 v26, v37;
	v26 =	vld.idx.msk [tilespmem:v11+s16+$0x0], $0xffff  }
0x2c8: {  	v20 =	vmul.f32 v32, v20;
	v32 =	vmul.f32 v34, v31;
	v34 =	vld.idx.msk [tilespmem:v7+s16+$0x0], $0xffff  }
0x2c9: {  	v19 =	vmul.f32 v49, v19;
	v49 =	vmul.f32 v28, v31;
	v28 =	vld.idx.msk [tilespmem:v63+s18+$0x0], $0xffff  }
0x2ca: {  	v31 =	vld.idx.msk [tilespmem:v63+s16+$0x0], $0xffff  }
0x2cb: {  	v6 =	vadd.f32 v19, v6;
	v19 =	vld.idx.msk [tilespmem:v7+s18+$0x0], $0xffff  }
0x2cc: {  	v46 =	vsub.f32 v44, v20;
	v44 =	vld.idx.msk [tilespmem:v2+s18+$0x0], $0xffff  }
0x2cd: {  	v43 =	vadd.f32 v41, v40;
	v29 =	vadd.f32 v50, v49;
	v49 =	vld.idx.msk [tilespmem:v2+s19+$0x0], $0xffff  }
0x2ce: {  	v20 =	vld.idx.msk [tilespmem:v2+s17+$0x0], $0xffff  }
0x2cf: {  	v6 =	vadd.f32 v6, v17;
	v17 =	vld.idx.msk [tilespmem:v11+s19+$0x0], $0xffff;
	v14 =	vmul.f32 v43, v14  }
0x2d0: {  	v37 =	vsub.f32 v32, v16;
	v32 =	vld.idx.msk [tilespmem:v63+s19+$0x0], $0xffff;
	v13 =	vmul.f32 v46, v13;
	v10 =	vmul.f32 v29, v10  }
0x2d1: {  	v25 =	vmul.f32 v35, v38;
	v29 =	vmul.f32 v35, v34;
	v35 =	vld.idx.msk [tilespmem:v63+s17+$0x0], $0xffff;
	v6 =	vadd.f32 v14, v6  }
0x2d2: {  	v11 =	vmul.f32 v23, v47;
	v40 =	vmul.f32 v23, v26;
	v63 =	vld.idx.msk [tilespmem:v57+s16+$0x0], $0xffff  }
0x2d3: {  	v23 =	vmul.f32 v19, v34;
	v7 =	vmul.f32 v19, v38;
	v19 =	vld [tilespmem:$0x1FFA0];
	v6 =	vadd.f32 v6, v13  }
0x2d4: {  	v41 =	vmul.f32 v17, v47;
	v46 =	vmul.f32 v17, v26;
	v47 =	vld.idx.msk [tilespmem:v2+s16+$0x0], $0xffff  }
0x2d5: {  	v26 =	vadd.f32 v25, v23;
	v23 =	vld.idx.msk [tilespmem:v57+s17+$0x0], $0xffff;
	v6 =	vadd.f32 v10, v6  }
0x2d6: {  	v8 =	vmul.f32 v37, v8;
	v43 =	vadd.f32 v41, v40;
	v50 =	vsub.f32 v46, v11;
	v41 =	vld.idx.msk [tilespmem:v60+s18+$0x0], $0xffff  }
0x2d7: {  	v38 =	vmul.f32 v49, v20;
	v34 =	vsub.f32 v29, v7;
	v46 =	vld.idx.msk [tilespmem:v60+s19+$0x0], $0xffff;
	v7 =	vmul.f32 v28, v35  }
0x2d8: {  	v6 =	vadd.f32 v6, v8;
	v4 =	vmul.f32 v43, v4;
	v3 =	vmul.f32 v50, v3;
	v43 =	vld.idx.msk [tilespmem:v60+s16+$0x0], $0xffff  }
0x2d9: {  	v50 =	vmul.f32 v32, v35;
	v35 =	vld.idx.msk [tilespmem:v54+s19+$0x0], $0xffff;
	v37 =	vmul.f32 v44, v47  }
0x2da: {  	v8 =	vmul.f32 v49, v47;
	v47 =	vld.idx.msk [tilespmem:v60+s17+$0x0], $0xffff;
	v4 =	vadd.f32 v4, v6  }
0x2db: {  	v2 =	vmul.f32 v44, v20;
	v40 =	vadd.f32 v38, v37;
	v37 =	vld.idx.msk [tilespmem:v54+s17+$0x0], $0xffff  }
0x2dc: {  	v49 =	vmul.f32 v28, v31;
	v3 =	vadd.f32 v4, v3;
	v4 =	vmul.f32 v32, v31;
	v31 =	vld.idx.msk [tilespmem:v54+s18+$0x0], $0xffff  }
0x2dd: {  	v2 =	vsub.f32 v8, v2;
	v32 =	vld.idx.msk [tilespmem:v54+s16+$0x0], $0xffff  }
0x2de: {  	v44 =	vmul.f32 v40, v62;
	v62 =	vld.idx.msk [tilespmem:v57+s18+$0x0], $0xffff  }
0x2df: {  	v60 =	vmul.f32 v2, v61;
	v61 =	vadd.f32 v50, v49;
	v49 =	vld [tilespmem:$0x1FFD0]  }
0x2e0: {  	v1 =	vmul.f32 v26, v1;
	v50 =	vld.idx.msk [tilespmem:v51+s17+$0x0], $0xffff  }
0x2e1: {  	v40 =	vmul.f32 v22, v23;
	v2 =	vmul.f32 v22, v63;
	v22 =	vld.idx.msk [tilespmem:v45+s18+$0x0], $0xffff  }
0x2e2: {  	v25 =	vmul.f32 v41, v43;
	v6 =	vmul.f32 v41, v47;
	v41 =	vld [tilespmem:$0x1FFE0]  }
0x2e3: {  	v1 =	vadd.f32 v1, v3;
	v26 =	vmul.f32 v46, v47;
	v3 =	vmul.f32 v46, v43;
	v46 =	vld.idx.msk [tilespmem:v51+s16+$0x0], $0xffff  }
0x2e4: {  	v47 =	vld.idx.msk [tilespmem:v51+s19+$0x0], $0xffff  }
0x2e5: {  	v4 =	vsub.f32 v4, v7;
	v20 =	vmul.f32 v61, v59;
	v59 =	vld.idx.msk [tilespmem:v48+s16+$0x0], $0xffff  }
0x2e6: {  	v61 =	vld [tilespmem:$0x1FFB0]  }
0x2e7: {  	v0 =	vmul.f32 v34, v0;
	v28 =	vmul.f32 v4, v58;
	v58 =	vld.idx.msk [tilespmem:v48+s18+$0x0], $0xffff  }
0x2e8: {  	v29 =	vadd.f32 v26, v25;
	v25 =	vld.idx.msk [tilespmem:v45+s16+$0x0], $0xffff  }
0x2e9: {  	v0 =	vadd.f32 v1, v0;
	v26 =	vld.idx.msk [tilespmem:v45+s19+$0x0], $0xffff  }
0x2ea: {  	v3 =	vsub.f32 v3, v6;
	v54 =	vmul.f32 v35, v37;
	v6 =	vmul.f32 v31, v37;
	v37 =	vld.idx.msk [tilespmem:v42+s18+$0x0], $0xffff  }
0x2eb: {  	v0 =	vadd.f32 v44, v0;
	v44 =	vld.idx.msk [tilespmem:v51+s18+$0x0], $0xffff  }
0x2ec: {  	v34 =	vmul.f32 v29, v56;
	v56 =	vld [tilespmem:$0x1FFC0]  }
0x2ed: {  	v38 =	vmul.f32 v62, v63;
	v7 =	vmul.f32 v62, v23;
	v62 =	vld.idx.msk [tilespmem:v48+s17+$0x0], $0xffff  }
0x2ee: {  	v29 =	vld.idx.msk [tilespmem:v45+s17+$0x0], $0xffff  }
0x2ef: {  	v1 =	vmul.f32 v3, v41;
	v41 =	vld [tilespmem:$0x1FF70]  }
0x2f0: {  	v0 =	vadd.f32 v0, v60;
	v60 =	vld.idx.msk [tilespmem:v48+s19+$0x0], $0xffff  }
0x2f1: {  	v43 =	vadd.f32 v40, v38;
	v38 =	vld.idx.msk [tilespmem:v42+s16+$0x0], $0xffff  }
0x2f2: {  	v51 =	vmul.f32 v31, v32;
	v40 =	vld.idx.msk [tilespmem:v42+s19+$0x0], $0xffff  }
0x2f3: {  	v48 =	vld.idx.msk [tilespmem:v39+s18+$0x0], $0xffff  }
0x2f4: {  	v57 =	vadd.f32 v54, v51;
	v51 =	vld [tilespmem:$0x1FF50]  }
0x2f5: {  	v54 =	vld.idx.msk [tilespmem:v39+s17+$0x0], $0xffff  }
0x2f6: {  	v3 =	vmul.f32 v43, v49;
	v43 =	vld.idx.msk [tilespmem:v42+s17+$0x0], $0xffff  }
0x2f7: {  	v4 =	vmul.f32 v35, v32;
	v49 =	vld.idx.msk [tilespmem:v39+s16+$0x0], $0xffff  }
0x2f8: {  	v17 =	vmul.f32 v47, v50;
	v42 =	vld.idx.msk [tilespmem:v30+s19+$0x0], $0xffff  }
0x2f9: {  	v4 =	vsub.f32 v4, v6;
	v31 =	vmul.f32 v58, v59;
	v23 =	vmul.f32 v44, v50;
	v50 =	vld.idx.msk [tilespmem:v39+s19+$0x0], $0xffff  }
0x2fa: {  	v2 =	vsub.f32 v2, v7;
	v63 =	vmul.f32 v44, v46;
	v7 =	vmul.f32 v58, v62;
	v58 =	vld [tilespmem:$0x1FF40]  }
0x2fb: {  	v0 =	vadd.f32 v20, v0;
	v44 =	vmul.f32 v22, v25;
	v6 =	vmul.f32 v22, v29;
	v22 =	vld.idx.msk [tilespmem:v36+s17+$0x0], $0xffff  }
0x2fc: {  	v45 =	vmul.f32 v26, v29;
	v29 =	vld.idx.msk [tilespmem:v33+s18+$0x0], $0xffff  }
0x2fd: {  	v0 =	vadd.f32 v0, v28;
	v28 =	vld [tilespmem:$0x1FF90]  }
0x2fe: {  	v32 =	vmul.f32 v60, v62;
	v62 =	vld.idx.msk [tilespmem:v36+s16+$0x0], $0xffff  }
0x2ff: {  	v20 =	vadd.f32 v17, v63;
	v63 =	vld.idx.msk [tilespmem:v36+s19+$0x0], $0xffff  }
0x300: {  	v17 =	vld.idx.msk [tilespmem:v9+s18+$0x0], $0xffff  }
0x301: {  	v0 =	vadd.f32 v34, v0;
	v34 =	vld [tilespmem:$0x1FF80]  }
0x302: {  	v35 =	vadd.f32 v32, v31;
	v31 =	vld.idx.msk [tilespmem:v33+s16+$0x0], $0xffff  }
0x303: {  	v32 =	vld.idx.msk [tilespmem:v33+s19+$0x0], $0xffff;
	v0 =	vadd.f32 v0, v1  }
0x304: {  	v2 =	vmul.f32 v2, v56;
	v1 =	vmul.f32 v47, v46;
	v46 =	vld [tilespmem:$0x1FF60]  }
0x305: {  	v47 =	vadd.f32 v45, v44;
	v44 =	vld.idx.msk [tilespmem:v30+s17+$0x0], $0xffff;
	v0 =	vadd.f32 v3, v0;
	v3 =	vmul.f32 v57, v61  }
0x306: {  	v1 =	vsub.f32 v1, v23;
	v57 =	vmul.f32 v40, v43;
	v61 =	vmul.f32 v37, v43;
	v43 =	vld [tilespmem:$0x1FEF0]  }
0x307: {  	v56 =	vmul.f32 v37, v38;
	v0 =	vadd.f32 v0, v2;
	v2 =	vmul.f32 v60, v59;
	v60 =	vld.idx.msk [tilespmem:v36+s18+$0x0], $0xffff  }
0x308: {  	v1 =	vmul.f32 v1, v34;
	v34 =	vld [tilespmem:$0x1FF10]  }
0x309: {  	v59 =	vadd.f32 v57, v56;
	v56 =	vld.idx.msk [tilespmem:v27+s17+$0x0], $0xffff  }
0x30a: {  	v0 =	vadd.f32 v3, v0;
	v3 =	vmul.f32 v4, v19;
	v4 =	vmul.f32 v20, v28;
	v20 =	vld [tilespmem:$0x1FF30]  }
0x30b: {  	v19 =	vld.idx.msk [tilespmem:v9+s19+$0x0], $0xffff  }
0x30c: {  	v0 =	vadd.f32 v0, v3;
	v3 =	vmul.f32 v26, v25;
	v26 =	vld [tilespmem:$0x1FF20]  }
0x30d: {  	v2 =	vsub.f32 v2, v7;
	v7 =	vmul.f32 v48, v54;
	v25 =	vmul.f32 v50, v54;
	v54 =	vld [tilespmem:$0x1FED0]  }
0x30e: {  	v0 =	vadd.f32 v4, v0;
	v4 =	vmul.f32 v35, v41;
	v35 =	vld.idx.msk [tilespmem:v33+s17+$0x0], $0xffff  }
0x30f: {  	v23 =	vmul.f32 v48, v49;
	v37 =	vmul.f32 v63, v22;
	v41 =	vld.idx.msk [tilespmem:v30+s16+$0x0], $0xffff  }
0x310: {  	v36 =	vmul.f32 v60, v62;
	v3 =	vsub.f32 v3, v6;
	v6 =	vmul.f32 v60, v22;
	v22 =	vld.idx.msk [tilespmem:v24+s17+$0x0], $0xffff  }
0x311: {  	v28 =	vadd.f32 v25, v23;
	v25 =	vld [tilespmem:$0x1FEA0]  }
0x312: {  	v39 =	vadd.f32 v37, v36;
	v36 =	vld.idx.msk [tilespmem:v18+s18+$0x0], $0xffff  }
0x313: {  	v37 =	vld.idx.msk [tilespmem:v18+s16+$0x0], $0xffff;
	v0 =	vadd.f32 v0, v1  }
0x314: {  	v1 =	vmul.f32 v40, v38;
	v38 =	vld [tilespmem:$0x1FF00]  }
0x315: {  	v2 =	vmul.f32 v2, v46;
	v40 =	vld.idx.msk [tilespmem:v30+s18+$0x0], $0xffff;
	v0 =	vadd.f32 v4, v0  }
0x316: {  	v30 =	vld [tilespmem:$0x1FE90]  }
0x317: {  	v4 =	vmul.f32 v47, v51;
	v47 =	vld [tilespmem:$0x1FEE0];
	v0 =	vadd.f32 v0, v2  }
0x318: {  	v51 =	vld.idx.msk [tilespmem:v27+s19+$0x0], $0xffff  }
0x319: {  	v3 =	vmul.f32 v3, v58;
	v1 =	vsub.f32 v1, v61;
	v61 =	vld.idx.msk [tilespmem:v24+s18+$0x0], $0xffff;
	v0 =	vadd.f32 v4, v0  }
0x31a: {  	v45 =	vmul.f32 v29, v31;
	v8 =	vmul.f32 v29, v35;
	v29 =	vld.idx.msk [tilespmem:v21+s19+$0x0], $0xffff  }
0x31b: {  	v2 =	vmul.f32 v50, v49;
	v49 =	vld.idx.msk [tilespmem:v27+s18+$0x0], $0xffff;
	v4 =	vmul.f32 v59, v20;
	v0 =	vadd.f32 v0, v3  }
0x31c: {  	v46 =	vmul.f32 v32, v35;
	v50 =	vld.idx.msk [tilespmem:v27+s16+$0x0], $0xffff  }
0x31d: {  	v1 =	vmul.f32 v1, v26;
	v27 =	vld.idx.msk [tilespmem:v21+s18+$0x0], $0xffff;
	v0 =	vadd.f32 v4, v0  }
0x31e: {  	v48 =	vadd.f32 v46, v45;
	v45 =	vld.idx.msk [tilespmem:v15+s18+$0x0], $0xffff  }
0x31f: {  	v46 =	vld.idx.msk [tilespmem:v15+s16+$0x0], $0xffff;
	v2 =	vsub.f32 v2, v7;
	v4 =	vmul.f32 v28, v34;
	v0 =	vadd.f32 v0, v1  }
0x320: {  	v58 =	vmul.f32 v42, v44;
	v57 =	vmul.f32 v40, v41;
	v59 =	vld [tilespmem:$0x1FEC0]  }
0x321: {  	v20 =	vld [tilespmem:$0x1FEB0];
	v2 =	vmul.f32 v2, v38;
	v3 =	vmul.f32 v63, v62;
	v0 =	vadd.f32 v4, v0  }
0x322: {  	v7 =	vmul.f32 v40, v44;
	v40 =	vld.idx.msk [tilespmem:v18+s17+$0x0], $0xffff;
	v60 =	vadd.f32 v58, v57  }
0x323: {  	v57 =	vld.idx.msk [tilespmem:v12+s18+$0x0], $0xffff;
	v3 =	vsub.f32 v3, v6;
	v4 =	vmul.f32 v39, v43;
	v0 =	vadd.f32 v0, v2  }
0x324: {  	v58 =	vld.idx.msk [tilespmem:v12+s16+$0x0], $0xffff  }
0x325: {  	v62 =	vld.idx.msk [tilespmem:v24+s16+$0x0], $0xffff;
	v3 =	vmul.f32 v3, v47;
	v1 =	vmul.f32 v32, v31;
	v0 =	vadd.f32 v4, v0  }
0x326: {  	v63 =	vld.idx.msk [tilespmem:v24+s19+$0x0], $0xffff  }
0x327: {  	v38 =	vld.idx.msk [tilespmem:v18+s19+$0x0], $0xffff;
	v1 =	vsub.f32 v1, v8;
	v4 =	vmul.f32 v48, v54;
	v0 =	vadd.f32 v0, v3  }
0x328: {  	v24 =	vmul.f32 v51, v56;
	v18 =	vld.idx.msk [tilespmem:v9+s16+$0x0], $0xffff  }
0x329: {  	v28 =	vld.idx.msk [tilespmem:v21+s16+$0x0], $0xffff;
	v1 =	vmul.f32 v1, v59;
	v2 =	vmul.f32 v42, v41;
	v0 =	vadd.f32 v4, v0  }
0x32a: {  	v23 =	vmul.f32 v49, v50;
	v6 =	vmul.f32 v49, v56;
	v34 =	vld [tilespmem:$0x1FE80]  }
0x32b: {  	v49 =	vld.idx.msk [tilespmem:v15+s17+$0x0], $0xffff;
	v2 =	vsub.f32 v2, v7;
	v4 =	vmul.f32 v60, v20;
	v0 =	vadd.f32 v0, v1  }
0x32c: {  	v26 =	vadd.f32 v24, v23;
	v31 =	vld.idx.msk [tilespmem:v21+s17+$0x0], $0xffff  }
0x32d: {  	v47 =	vld.idx.msk [tilespmem:v15+s19+$0x0], $0xffff;
	v2 =	vmul.f32 v2, v25;
	v3 =	vmul.f32 v51, v50;
	v0 =	vadd.f32 v4, v0  }
0x32e: {  	v32 =	vmul.f32 v61, v62;
	v33 =	vmul.f32 v63, v22;
	v39 =	vld [tilespmem:$0x1FE70]  }
0x32f: {  	v15 =	vld [tilespmem:$0x1FE20];
	v3 =	vsub.f32 v3, v6;
	v4 =	vmul.f32 v26, v30;
	v0 =	vadd.f32 v0, v2  }
0x330: {  	v8 =	vmul.f32 v61, v22;
	v43 =	vld [tilespmem:$0x1FE60];
	v35 =	vadd.f32 v33, v32  }
0x331: {  	v21 =	vld.idx.msk [tilespmem:v9+s17+$0x0], $0xffff;
	v3 =	vmul.f32 v3, v34;
	v1 =	vmul.f32 v63, v62;
	v0 =	vadd.f32 v4, v0  }
0x332: {  	v41 =	vmul.f32 v27, v28;
	v42 =	vmul.f32 v29, v31;
	v48 =	vld [tilespmem:$0x1FE50]  }
0x333: {  	v61 =	vld.idx.msk [tilespmem:v12+s17+$0x0], $0xffff;
	v1 =	vsub.f32 v1, v8;
	v4 =	vmul.f32 v35, v39;
	v0 =	vadd.f32 v0, v3  }
0x334: {  	v7 =	vmul.f32 v27, v31;
	v54 =	vld [tilespmem:$0x1FE40];
	v44 =	vadd.f32 v42, v41  }
0x335: {  	v25 =	vld [tilespmem:$0x1FDB0];
	v1 =	vmul.f32 v1, v43;
	v2 =	vmul.f32 v29, v28;
	v0 =	vadd.f32 v4, v0  }
0x336: {  	v24 =	vor.u32 $0x1E, v5;
	v50 =	vmul.f32 v36, v37;
	v51 =	vmul.f32 v38, v40;
	v60 =	vld [tilespmem:$0x1FE30]  }
0x337: {  	v59 =	vld.idx.msk [tilespmem:v12+s19+$0x0], $0xffff;
	v2 =	vsub.f32 v2, v7;
	v4 =	vmul.f32 v44, v48;
	v0 =	vadd.f32 v0, v1  }
0x338: {  	v27 =	vld [tilespmem:$0x1FE00];
	v56 =	vadd.f32 v51, v50;
	v6 =	vmul.f32 v36, v40  }
0x339: {  	v31 =	vld [tilespmem:$0x1FDF0];
	v2 =	vmul.f32 v2, v54;
	v3 =	vmul.f32 v38, v37;
	v0 =	vadd.f32 v4, v0  }
0x33a: {  	v20 =	vld [tilespmem:$0x1FE10];
	v62 =	vmul.f32 v45, v46;
	v63 =	vmul.f32 v47, v49  }
0x33b: {  	v41 =	vld [tilespmem:$0x1FDD0];
	v3 =	vsub.f32 v3, v6;
	v4 =	vmul.f32 v56, v60;
	v0 =	vadd.f32 v0, v2  }
0x33c: {  	v36 =	vld.idx.msk [tilespmem:v24+s18+$0x0], $0xffff;
	v16 =	vadd.f32 v63, v62;
	v8 =	vmul.f32 v45, v49  }
0x33d: {  	v26 =	vld.idx.msk [tilespmem:v25+s18+$0x0], $0xffff;
	v3 =	vmul.f32 v3, v15;
	v1 =	vmul.f32 v47, v46;
	v0 =	vadd.f32 v4, v0  }
0x33e: {  	v22 =	vmul.f32 v57, v58;
	v23 =	vmul.f32 v59, v61;
	v28 =	vld.idx.msk [tilespmem:v25+s16+$0x0], $0xffff  }
0x33f: {  	v29 =	vld.idx.msk [tilespmem:v25+s19+$0x0], $0xffff;
	v1 =	vsub.f32 v1, v8;
	v4 =	vmul.f32 v16, v20;
	v0 =	vadd.f32 v0, v3  }
0x340: {  	v32 =	vor.u32 $0x1F, v5;
	v7 =	vmul.f32 v57, v61;
	v35 =	vld [tilespmem:$0x1FDE0];
	v8 =	vadd.f32 v23, v22  }
0x341: {  	v30 =	vld.idx.msk [tilespmem:v25+s17+$0x0], $0xffff;
	v2 =	vmul.f32 v59, v58;
	v1 =	vmul.f32 v1, v27;
	v0 =	vadd.f32 v4, v0  }
0x342: {  	v33 =	vmul.f32 v17, v18;
	v40 =	vld.idx.msk [tilespmem:v24+s17+$0x0], $0xffff;
	v34 =	vmul.f32 v19, v21  }
0x343: {  	v37 =	vld.idx.msk [tilespmem:v24+s16+$0x0], $0xffff;
	v8 =	vmul.f32 v8, v31;
	v2 =	vsub.f32 v2, v7;
	v0 =	vadd.f32 v0, v1  }
0x344: {  	v6 =	vmul.f32 v17, v21;
	v44 =	vld [tilespmem:$0x1FDC0];
	v7 =	vadd.f32 v34, v33  }
0x345: {  	v38 =	vld.idx.msk [tilespmem:v24+s19+$0x0], $0xffff;
	v2 =	vmul.f32 v2, v35;
	v3 =	vmul.f32 v19, v18;
	v0 =	vadd.f32 v8, v0  }
0x346: {  	v50 =	vld.idx.msk [tilespmem:v32+s17+$0x0], $0xffff;
	v39 =	vmul.f32 v26, v28;
	v42 =	vmul.f32 v29, v30  }
0x347: {  	v43 =	vld.idx.msk [tilespmem:v32+s18+$0x0], $0xffff;
	v7 =	vmul.f32 v7, v41;
	v3 =	vsub.f32 v3, v6;
	v0 =	vadd.f32 v0, v2  }
0x348: {  	v45 =	vadd.f32 v42, v39;
	v46 =	vld.idx.msk [tilespmem:v32+s16+$0x0], $0xffff;
	v4 =	vmul.f32 v29, v28  }
0x349: {  	v47 =	vld.idx.msk [tilespmem:v32+s19+$0x0], $0xffff;
	v3 =	vmul.f32 v3, v44;
	v1 =	vmul.f32 v26, v30;
	v0 =	vadd.f32 v7, v0  }
0x34a: {  	v48 =	vld.idx.msk [tilespmem:v24+s20+$0x0], $0xffff;
	v51 =	vmul.f32 v36, v37;
	v54 =	vmul.f32 v38, v40  }
0x34b: {  	v49 =	vmul.f32 v45, v55;
	v1 =	vsub.f32 v4, v1;
	v0 =	vadd.f32 v0, v3  }
0x34c: {  	v9 =	vmul.f32 v38, v37;
	v56 =	vld.idx.msk [tilespmem:v24+s21+$0x0], $0xffff;
	v55 =	vadd.f32 v54, v51  }
0x34d: {  	v1 =	vmul.f32 v1, v53;
	v2 =	vmul.f32 v36, v40;
	v0 =	vadd.f32 v49, v0  }
0x34e: {  	v57 =	vld.idx.msk [tilespmem:v32+s20+$0x0], $0xffff;
	v58 =	vmul.f32 v43, v46;
	v59 =	vmul.f32 v47, v50  }
0x34f: {  	v2 =	vsub.f32 v9, v2;
	v3 =	vmul.f32 v55, v48;
	v0 =	vadd.f32 v0, v1  }
0x350: {  	v5 =	vld.idx.msk [tilespmem:v32+s21+$0x0], $0xffff;
	v60 =	vmul.f32 v47, v46;
	v61 =	vadd.f32 v59, v58  }
0x351: {  	v6 =	vmul.f32 v43, v50;
	v2 =	vmul.f32 v2, v56;
	v0 =	vadd.f32 v3, v0;
	_ =	sdelay $0x1  }
0x352: {  	v62 =	vsub.f32 v60, v6;
	v1 =	vmul.f32 v61, v57;
	v0 =	vadd.f32 v0, v2;
	_ =	sdelay $0x1  }
0x353: {  	v63 =	vmul.f32 v62, v5;
	v0 =	vadd.f32 v1, v0;
	_ =	sdelay $0x1  }
0x354: {  	s25 =	sadd.s32 $0x1, s25;
	v0 =	vadd.f32 v0, v63  }
0x355: {  	s28 =	sadd.s32 $0x10, s28;
	p0 =	sne.s32 s25, $0x8  }
.Ltmp1:
0x356: {  	s26 =	sadd.s32 s4, s26;
	[tilespmem:s28+$0x0] =	vst v0;
	(pc) =	sbr.rel @p0 .LBB2_2-.Ltmp1, $4  }
0x357: {  	[hbm4b:s26+s5] =	stream.linear.scatter [tilespmem:s23], [sflag:$0x2], $0x80, $0x38;
	[tilespmem:$0x6200] =	vst v63  }
0x358: {  	_ =	swait.ge [sflag:s13], $0x80  }
0x359: {  	[sflag:s13] =	ssyncset.done $0x0  }
0x35a: {  	[sflag:s13] =	ssyncadd.s32 $0xFFFFFF80  }
0x35b: {  	s24 =	sadd.s32 $0x1, s24  }
0x35c: {  	p0 =	sne.s32 s24, s12  }
.Ltmp2:
0x35d: {  	_ = 	snop;
	(pc) =	sbr.rel @p0 .LBB2_1-.Ltmp2, $1  }
0x35e: {  	_ =	sdelay $0x3  }
0x35f: {  	_ =	sfence.sel $0x180000  }
0x360: {  	[bflag:$0x0] =	sbarrier.arrive $0xFFFF  }
0x361: {  	p0 =	sne.s32 s6, $0x0;
	_ =	strace $0x90000047  }
0x362: {  	s0 =	sadd.s32 @!p0 $0x100000, s0;
	[bflag:$0x2] =	sbarrier.arrive $0xFFFF  }
0x363: {  	[sflag:s0] =	ssyncadd.tile.s32 @!p0 $0x1;
	_ =	shalt  }
.Lfunc_end2:
_tile_overlayer_lowered:
.L_overlay_start_2:
0x364: {  	(tag) =	ssettag $0x2  }
0x365: {  	s0 =	rddreg [dreg:$0x0];
	s2 =	stileid.u32  }
0x366: {  	s1 =	rddreg [dreg:$0x1];
	p0 =	sne.s32 s2, $0x0  }
0x367: {  	s3 =	rddreg [dreg:$0x2];
	[bflag:$0x3] =	sbarrier.arrive $0xFFFF;
	s2 =	simm.s32 @!p0 $0x1C02  }
0x368: {  	[timem:s3], [sflag:s2] =	dma.local @!p0 [hbm:s0], s1  }
0x369: {  	s0 =	simm.s32 @!p0 $0x2  }
0x36a: {  	_ =	swait.ge @!p0 [sflag:s0], s1  }
0x36b: {  	s1 =	ssub.s32 @!p0 $0x0, s1;
	[sflag:s0] =	ssyncset.done @!p0 $0x0  }
0x36c: {  	[sflag:s0] =	ssyncadd.s32 @!p0 s1  }
0x36d: {  	[bflag:$0x3] =	sbarrier.arrive $0xFFFF  }
0x36e: {  	_ =	shalt  }

</sc_bundles>
